<compile_context>
chip_gen: v7x
topology: tpu7x:2x2x1
jax: 0.10.2.dev20260603
libtpu: 0.0.44.dev20260713+nightly
codegen_flags: <defaults>
</compile_context>

<pallas_src>
import jax
import jax.numpy as jnp
from jax import lax
from jax.experimental import pallas as pl
from jax.experimental.pallas import tpu as pltpu
from jax.experimental.pallas import tpu_sc as plsc

N = 10000
E = 160000
G = 16
D_IN = 256
D_H = 128
DEG_W = 128

N_PAD = 10240
E_PAD = 163840
CHUNK = 128
NC = 2
NS = 16
NW = NC * NS
ROWS_PER_SUB = N_PAD // NS
CH_AGG = E_PAD // NW // CHUNK
NBUF = 2
BLK = 256
NBLK = N_PAD // BLK



def _sc_mesh():
    return plsc.VectorSubcoreMesh(core_axis_name="c", subcore_axis_name="s")


def _deg_kernel(dst_hbm, ones_hbm, zeros_hbm, out_hbm,
                acc_sh, ones_v, dstv, sem):
    cid = lax.axis_index("c")
    sid = lax.axis_index("s")
    wid = cid * NS + sid
    pltpu.sync_copy(zeros_hbm, acc_sh.at[pl.ds(sid * ROWS_PER_SUB, ROWS_PER_SUB)])
    pltpu.sync_copy(ones_hbm, ones_v)
    pltpu.sync_copy(dst_hbm.at[wid], dstv)
    plsc.subcore_barrier()

    def body(g, carry):
        pltpu.sync_copy(ones_v, acc_sh.at[dstv.at[g]], add=True)
        return carry

    lax.fori_loop(0, CH_AGG, body, 0)
    plsc.subcore_barrier()
    pltpu.sync_copy(acc_sh.at[pl.ds(sid * ROWS_PER_SUB, ROWS_PER_SUB)],
                    out_hbm.at[cid, pl.ds(sid * ROWS_PER_SUB, ROWS_PER_SUB)])


def _agg_kernel(z_hbm, src_hbm, dst_hbm, zeros_hbm, out_hbm,
                acc_sh, rows0, rows1, srcv, dstv, sem0, sem1):
    cid = lax.axis_index("c")
    sid = lax.axis_index("s")
    wid = cid * NS + sid
    rows = (rows0, rows1)
    sems = (sem0, sem1)
    pltpu.sync_copy(zeros_hbm, acc_sh.at[pl.ds(sid * ROWS_PER_SUB, ROWS_PER_SUB)])
    pltpu.sync_copy(src_hbm.at[wid], srcv)
    pltpu.sync_copy(dst_hbm.at[wid], dstv)
    plsc.subcore_barrier()

    for b in range(NBUF):
        pltpu.async_copy(z_hbm.at[srcv.at[b]], rows[b], sems[b])

    def body(h, carry):
        for b in range(NBUF):
            g = h * NBUF + b
            pltpu.make_async_copy(z_hbm.at[srcv.at[0]], rows[b], sems[b]).wait()
            pltpu.sync_copy(rows[b], acc_sh.at[dstv.at[g]], add=True)

            @pl.when(g + NBUF < CH_AGG)
            def _():
                pltpu.async_copy(z_hbm.at[srcv.at[g + NBUF]], rows[b], sems[b])
        return carry

    lax.fori_loop(0, CH_AGG // NBUF, body, 0)
    plsc.subcore_barrier()
    pltpu.sync_copy(acc_sh.at[pl.ds(sid * ROWS_PER_SUB, ROWS_PER_SUB)],
                    out_hbm.at[cid, pl.ds(sid * ROWS_PER_SUB, ROWS_PER_SUB)])


def _make_deg():
    return pl.kernel(
        _deg_kernel,
        out_type=jax.ShapeDtypeStruct((NC, N_PAD, DEG_W), jnp.float32),
        mesh=_sc_mesh(),
        scratch_types=[
            pltpu.VMEM_SHARED((N_PAD, DEG_W), jnp.float32),
            pltpu.VMEM((CHUNK, DEG_W), jnp.float32),
            pltpu.VMEM((CH_AGG, CHUNK), jnp.int32),
            pltpu.SemaphoreType.DMA,
        ],
    )


def _make_agg():
    return pl.kernel(
        _agg_kernel,
        out_type=jax.ShapeDtypeStruct((NC, N_PAD, D_H), jnp.float32),
        mesh=_sc_mesh(),
        scratch_types=[
            pltpu.VMEM_SHARED((N_PAD, D_H), jnp.float32),
            pltpu.VMEM((CHUNK, D_H), jnp.float32),
            pltpu.VMEM((CHUNK, D_H), jnp.float32),
            pltpu.VMEM((CH_AGG, CHUNK), jnp.int32),
            pltpu.VMEM((CH_AGG, CHUNK), jnp.int32),
            pltpu.SemaphoreType.DMA,
            pltpu.SemaphoreType.DMA,
        ],
    )



def _dinv_of(degp_ref):
    d16 = lax.rsqrt(degp_ref[0] + degp_ref[1] + 1.0)
    return jnp.broadcast_to(d16[:, :1], (d16.shape[0], D_H))


def _k1_body(x_ref, w1_ref, degp_ref, z_ref):
    xw = jnp.dot(x_ref[...], w1_ref[...], preferred_element_type=jnp.float32)
    z_ref[...] = xw * _dinv_of(degp_ref)


def _k1(x_pad, W1, degp):
    return pl.pallas_call(
        _k1_body,
        grid=(NBLK,),
        in_specs=[
            pl.BlockSpec((BLK, D_IN), lambda i: (i, 0)),
            pl.BlockSpec((D_IN, D_H), lambda i: (0, 0)),
            pl.BlockSpec((NC, BLK, DEG_W), lambda i: (0, i, 0)),
        ],
        out_specs=pl.BlockSpec((BLK, D_H), lambda i: (i, 0)),
        out_shape=jax.ShapeDtypeStruct((N_PAD, D_H), jnp.float32),
    )(x_pad, W1, degp)


def _k2_body(s_ref, z1_ref, degp_ref, b1_ref, w2_ref, out_ref):
    dinv = _dinv_of(degp_ref)
    h = jnp.maximum(dinv * (s_ref[0] + s_ref[1] + z1_ref[...]) + b1_ref[...], 0.0)
    out_ref[...] = jnp.dot(h * dinv, w2_ref[...], preferred_element_type=jnp.float32)


def _k2(S1, Z1, degp, b1r, W2):
    return pl.pallas_call(
        _k2_body,
        grid=(NBLK,),
        in_specs=[
            pl.BlockSpec((NC, BLK, D_H), lambda i: (0, i, 0)),
            pl.BlockSpec((BLK, D_H), lambda i: (i, 0)),
            pl.BlockSpec((NC, BLK, DEG_W), lambda i: (0, i, 0)),
            pl.BlockSpec((1, D_H), lambda i: (0, 0)),
            pl.BlockSpec((D_H, D_H), lambda i: (0, 0)),
        ],
        out_specs=pl.BlockSpec((BLK, D_H), lambda i: (i, 0)),
        out_shape=jax.ShapeDtypeStruct((N_PAD, D_H), jnp.float32),
    )(S1, Z1, degp, b1r, W2)


def _k3_body(s_ref, z2_ref, degp_ref, b2_ref, batch_ref, wlin_ref, blin_ref,
             out_ref, sums_ref, cnt_ref):
    i = pl.program_id(0)

    @pl.when(i == 0)
    def _():
        sums_ref[...] = jnp.zeros_like(sums_ref)
        cnt_ref[...] = jnp.zeros_like(cnt_ref)

    dinv = _dinv_of(degp_ref)
    h2 = jnp.maximum(dinv * (s_ref[0] + s_ref[1] + z2_ref[...]) + b2_ref[...], 0.0)
    b = batch_ref[0]
    gids = lax.broadcasted_iota(jnp.int32, (G, BLK), 0)
    oh = (gids == b).astype(jnp.float32)
    sums_ref[...] += jnp.dot(oh, h2, preferred_element_type=jnp.float32)
    cnt_ref[...] += jnp.broadcast_to(
        jnp.sum(oh, axis=1, keepdims=True), (G, D_H))

    @pl.when(i == NBLK - 1)
    def _():
        pooled = sums_ref[...] / jnp.maximum(cnt_ref[...], 1.0)
        out_ref[...] = (
            jnp.dot(pooled, wlin_ref[...], preferred_element_type=jnp.float32)
            + blin_ref[...])


def _k3(S2, Z2, degp, b2r, batch3, wlin_pad, blin_pad):
    return pl.pallas_call(
        _k3_body,
        grid=(NBLK,),
        in_specs=[
            pl.BlockSpec((NC, BLK, D_H), lambda i: (0, i, 0)),
            pl.BlockSpec((BLK, D_H), lambda i: (i, 0)),
            pl.BlockSpec((NC, BLK, DEG_W), lambda i: (0, i, 0)),
            pl.BlockSpec((1, D_H), lambda i: (0, 0)),
            pl.BlockSpec((1, 1, BLK), lambda i: (i, 0, 0)),
            pl.BlockSpec((D_H, D_H), lambda i: (0, 0)),
            pl.BlockSpec((1, D_H), lambda i: (0, 0)),
        ],
        out_specs=pl.BlockSpec((G, D_H), lambda i: (0, 0)),
        out_shape=jax.ShapeDtypeStruct((G, D_H), jnp.float32),
        scratch_shapes=[
            pltpu.VMEM((G, D_H), jnp.float32),
            pltpu.VMEM((G, D_H), jnp.float32),
        ],
    )(S2, Z2, degp, b2r, batch3, wlin_pad, blin_pad)



@jax.jit
def kernel(x, edge_index, batch, W1, b1, W2, b2, Wlin, blin):
    src = edge_index[0]
    dst = edge_index[1]
    spread = N + (jnp.arange(E_PAD, dtype=jnp.int32) % (N_PAD - N))
    src_pad = jnp.full((E_PAD,), N, jnp.int32).at[:E].set(src)
    dst_pad = spread.at[:E].set(dst)
    src3 = src_pad.reshape(NW, CH_AGG, CHUNK)
    dst3 = dst_pad.reshape(NW, CH_AGG, CHUNK)
    x_pad = jnp.zeros((N_PAD, D_IN), jnp.float32).at[:N, :].set(x)
    batch3 = jnp.full((N_PAD,), G, jnp.int32).at[:N].set(batch).reshape(NBLK, 1, BLK)
    ones_rows = jnp.ones((CHUNK, DEG_W), jnp.float32)
    zeros_deg = jnp.zeros((ROWS_PER_SUB, DEG_W), jnp.float32)
    zeros_rows = jnp.zeros((ROWS_PER_SUB, D_H), jnp.float32)
    b1r = b1.reshape(1, D_H)
    b2r = b2.reshape(1, D_H)
    wlin_pad = jnp.zeros((D_H, D_H), jnp.float32).at[:, :1].set(Wlin)
    blin_pad = jnp.zeros((1, D_H), jnp.float32).at[0, 0].set(blin[0])

    degp = _make_deg()(dst3, ones_rows, zeros_deg)
    Z1 = _k1(x_pad, W1, degp)
    S1 = _make_agg()(Z1, src3, dst3, zeros_rows)
    Z2 = _k2(S1, Z1, degp, b1r, W2)
    S2 = _make_agg()(Z2, src3, dst3, zeros_rows)
    outg = _k3(S2, Z2, degp, b2r, batch3, wlin_pad, blin_pad)
    return outg[:, 0].reshape(-1)

# --- scband reference (transcript-rebuilt; emitter-appended) ---
"""Pipeline reference for scband-gnnmodel-4440996184270 (READ-ONLY COPY).

The authoritative reference and input builder live on the scoring server;
editing this copy changes nothing except your own understanding.
"""

import jax, jax.numpy as jnp
import numpy as np

N = 10000
E = 160000
G = 16
D_IN = 256
D_H = 128


def gcn_conv(x, edge_index, W, b, n_nodes):
    # PyG GCNConv semantics: add self-loops, symmetric normalization, scatter-add aggregate
    src = edge_index[0]
    dst = edge_index[1]
    loop = jnp.arange(n_nodes, dtype=src.dtype)
    src = jnp.concatenate([src, loop])
    dst = jnp.concatenate([dst, loop])
    xw = x @ W
    ones = jnp.ones(src.shape[0], dtype=xw.dtype)
    deg = jax.ops.segment_sum(ones, dst, num_segments=n_nodes)
    dinv = jnp.where(deg > 0, jax.lax.rsqrt(jnp.maximum(deg, 1e-12)), 0.0)
    norm = dinv[src] * dinv[dst]
    msg = xw[src] * norm[:, None]
    out = jax.ops.segment_sum(msg, dst, num_segments=n_nodes)
    return out + b


def setup_inputs(seed: int = 0) -> dict:
    key = jax.random.key(seed)
    ks = jax.random.split(key, 10)
    x = jax.random.normal(ks[0], (N, D_IN), dtype=jnp.float32)
    edge_index = jax.random.randint(ks[1], (2, E), 0, N, dtype=jnp.int32)
    batch = jnp.sort(jax.random.randint(ks[2], (N,), 0, G, dtype=jnp.int32))
    W1 = jax.random.normal(ks[3], (D_IN, D_H), dtype=jnp.float32) * (1.0 / np.sqrt(D_IN))
    b1 = jnp.zeros((D_H,), dtype=jnp.float32)
    W2 = jax.random.normal(ks[4], (D_H, D_H), dtype=jnp.float32) * (1.0 / np.sqrt(D_H))
    b2 = jnp.zeros((D_H,), dtype=jnp.float32)
    Wlin = jax.random.normal(ks[5], (D_H, 1), dtype=jnp.float32) * (1.0 / np.sqrt(D_H))
    blin = jnp.zeros((1,), dtype=jnp.float32)
    return {"x": x, "edge_index": edge_index, "batch": batch,
            "W1": W1, "b1": b1, "W2": W2, "b2": b2, "Wlin": Wlin, "blin": blin}


def reference(x, edge_index, batch, W1, b1, W2, b2, Wlin, blin):
    h = gcn_conv(x, edge_index, W1, b1, N)
    h = jax.nn.relu(h)
    # dropout is identity in eval mode (training=False)
    h = gcn_conv(h, edge_index, W2, b2, N)
    h = jax.nn.relu(h)
    sums = jax.ops.segment_sum(h, batch, num_segments=G)
    cnt = jax.ops.segment_sum(jnp.ones((N,), dtype=h.dtype), batch, num_segments=G)
    pooled = sums / jnp.clip(cnt, 1.0)[:, None]
    out = pooled @ Wlin + blin
    return out.reshape(-1)

if __name__ == "__main__":
    import jax
    _d = setup_inputs()
    print(jax.jit(kernel)(*tuple(_d.values())))

</pallas_src>

<mosaic_0001>
#map = affine_map<(d0, d1) -> (0, 0)>
#map1 = affine_map<(d0, d1) -> (0, 0, 0)>
module attributes {stable_mosaic.version = 14 : i64} {
  func.func @_agg_kernel(%arg0: i32, %arg1: i32, %arg2: memref<10240x128xf32, #tpu.memory_space<hbm>>, %arg3: memref<32x40x128xi32, #tpu.memory_space<hbm>>, %arg4: memref<32x40x128xi32, #tpu.memory_space<hbm>>, %arg5: memref<640x128xf32, #tpu.memory_space<hbm>>, %arg6: memref<2x10240x128xf32, #tpu.memory_space<hbm>>, %arg7: memref<10240x128xf32, #tpu.memory_space<vmem_shared>>, %arg8: memref<128x128xf32, #tpu.memory_space<vmem>>, %arg9: memref<128x128xf32, #tpu.memory_space<vmem>>, %arg10: memref<40x128xi32, #tpu.memory_space<vmem>>, %arg11: memref<40x128xi32, #tpu.memory_space<vmem>>, %arg12: memref<!tpu.dma_semaphore, #tpu.memory_space<semaphore_mem>>, %arg13: memref<!tpu.dma_semaphore, #tpu.memory_space<semaphore_mem>>) attributes {dimension_semantics = [#tpu.dimension_semantics<core_parallel>, #tpu.dimension_semantics<subcore_parallel>], iteration_bounds = array<i64: 2, 16>, scalar_prefetch = 0 : i64, scratch_operands = 7 : i64, tpu.core_type = #tpu.core_type<sc_vector_subcore>, window_params = [{transform_indices = #map}, {transform_indices = #map1}, {transform_indices = #map1}, {transform_indices = #map}, {transform_indices = #map1}]} {
    %mul3A = arith.constant 16 : i32
    %mul3A_0 = arith.muli %arg0, %mul3A : i32
    %add3A = arith.addi %mul3A_0, %arg1 : i32
    %mul3A_1 = arith.constant 640 : i32
    %mul3A_2 = arith.muli %arg1, %mul3A_1 : i32
    "tpu.region"() ({
      %run_scoped3A = tpu.sem_alloc : memref<!tpu.dma_semaphore, #tpu.memory_space<semaphore_mem>>
      %dma_start3A_26 = arith.constant 0 : i32
      %dma_start3A_27 = tpu.memref_slice %arg7[%mul3A_2, %dma_start3A_26] : memref<10240x128xf32, #tpu.memory_space<vmem_shared>> -> memref<640x128xf32, #tpu.memory_space<vmem_shared>>
      tpu.enqueue_dma source(%arg5 : memref<640x128xf32, #tpu.memory_space<hbm>>) target(%dma_start3A_27 : memref<640x128xf32, #tpu.memory_space<vmem_shared>>) target_semaphore(%run_scoped3A : memref<!tpu.dma_semaphore, #tpu.memory_space<semaphore_mem>>)
      %dma_wait3A = arith.constant 0 : i32
      %dma_wait3A_28 = tpu.memref_slice %arg7[%mul3A_2, %dma_wait3A] : memref<10240x128xf32, #tpu.memory_space<vmem_shared>> -> memref<640x128xf32, #tpu.memory_space<vmem_shared>>
      tpu.wait_dma2 semaphore(%run_scoped3A : memref<!tpu.dma_semaphore, #tpu.memory_space<semaphore_mem>>) src(%arg5 : memref<640x128xf32, #tpu.memory_space<hbm>>) dst(%dma_wait3A_28 : memref<640x128xf32, #tpu.memory_space<vmem_shared>>)
      tpu.yield
    }) : () -> ()
    "tpu.region"() ({
      %run_scoped3A = tpu.sem_alloc : memref<!tpu.dma_semaphore, #tpu.memory_space<semaphore_mem>>
      %dma_start3A_26 = arith.constant 0 : i32
      %dma_start3A_27 = arith.constant 0 : i32
      %dma_start3A_28 = tpu.memref_slice %arg3[%add3A, %dma_start3A_26, %dma_start3A_27] : memref<32x40x128xi32, #tpu.memory_space<hbm>> -> memref<1x40x128xi32, #tpu.memory_space<hbm>>
      %dma_start3A_29 = tpu.memref_squeeze %dma_start3A_28 : memref<1x40x128xi32, #tpu.memory_space<hbm>> -> memref<40x128xi32, #tpu.memory_space<hbm>>
      %dma_start3A_30 = arith.constant 0 : i32
      %dma_start3A_31 = arith.constant 0 : i32
      %dma_start3A_32 = tpu.memref_slice %arg3[%add3A, %dma_start3A_30, %dma_start3A_31] : memref<32x40x128xi32, #tpu.memory_space<hbm>> -> memref<1x40x128xi32, #tpu.memory_space<hbm>>
      %dma_start3A_33 = tpu.memref_squeeze %dma_start3A_32 : memref<1x40x128xi32, #tpu.memory_space<hbm>> -> memref<40x128xi32, #tpu.memory_space<hbm>>
      tpu.enqueue_dma source(%dma_start3A_33 : memref<40x128xi32, #tpu.memory_space<hbm>>) target(%arg10 : memref<40x128xi32, #tpu.memory_space<vmem>>) target_semaphore(%run_scoped3A : memref<!tpu.dma_semaphore, #tpu.memory_space<semaphore_mem>>)
      %dma_wait3A = arith.constant 0 : i32
      %dma_wait3A_34 = arith.constant 0 : i32
      %dma_wait3A_35 = tpu.memref_slice %arg3[%add3A, %dma_wait3A, %dma_wait3A_34] : memref<32x40x128xi32, #tpu.memory_space<hbm>> -> memref<1x40x128xi32, #tpu.memory_space<hbm>>
      %dma_wait3A_36 = tpu.memref_squeeze %dma_wait3A_35 : memref<1x40x128xi32, #tpu.memory_space<hbm>> -> memref<40x128xi32, #tpu.memory_space<hbm>>
      %dma_wait3A_37 = arith.constant 0 : i32
      %dma_wait3A_38 = arith.constant 0 : i32
      %dma_wait3A_39 = tpu.memref_slice %arg3[%add3A, %dma_wait3A_37, %dma_wait3A_38] : memref<32x40x128xi32, #tpu.memory_space<hbm>> -> memref<1x40x128xi32, #tpu.memory_space<hbm>>
      %dma_wait3A_40 = tpu.memref_squeeze %dma_wait3A_39 : memref<1x40x128xi32, #tpu.memory_space<hbm>> -> memref<40x128xi32, #tpu.memory_space<hbm>>
      tpu.wait_dma2 semaphore(%run_scoped3A : memref<!tpu.dma_semaphore, #tpu.memory_space<semaphore_mem>>) src(%dma_wait3A_40 : memref<40x128xi32, #tpu.memory_space<hbm>>) dst(%arg10 : memref<40x128xi32, #tpu.memory_space<vmem>>)
      tpu.yield
    }) : () -> ()
    "tpu.region"() ({
      %run_scoped3A = tpu.sem_alloc : memref<!tpu.dma_semaphore, #tpu.memory_space<semaphore_mem>>
      %dma_start3A_26 = arith.constant 0 : i32
      %dma_start3A_27 = arith.constant 0 : i32
      %dma_start3A_28 = tpu.memref_slice %arg4[%add3A, %dma_start3A_26, %dma_start3A_27] : memref<32x40x128xi32, #tpu.memory_space<hbm>> -> memref<1x40x128xi32, #tpu.memory_space<hbm>>
      %dma_start3A_29 = tpu.memref_squeeze %dma_start3A_28 : memref<1x40x128xi32, #tpu.memory_space<hbm>> -> memref<40x128xi32, #tpu.memory_space<hbm>>
      %dma_start3A_30 = arith.constant 0 : i32
      %dma_start3A_31 = arith.constant 0 : i32
      %dma_start3A_32 = tpu.memref_slice %arg4[%add3A, %dma_start3A_30, %dma_start3A_31] : memref<32x40x128xi32, #tpu.memory_space<hbm>> -> memref<1x40x128xi32, #tpu.memory_space<hbm>>
      %dma_start3A_33 = tpu.memref_squeeze %dma_start3A_32 : memref<1x40x128xi32, #tpu.memory_space<hbm>> -> memref<40x128xi32, #tpu.memory_space<hbm>>
      tpu.enqueue_dma source(%dma_start3A_33 : memref<40x128xi32, #tpu.memory_space<hbm>>) target(%arg11 : memref<40x128xi32, #tpu.memory_space<vmem>>) target_semaphore(%run_scoped3A : memref<!tpu.dma_semaphore, #tpu.memory_space<semaphore_mem>>)
      %dma_wait3A = arith.constant 0 : i32
      %dma_wait3A_34 = arith.constant 0 : i32
      %dma_wait3A_35 = tpu.memref_slice %arg4[%add3A, %dma_wait3A, %dma_wait3A_34] : memref<32x40x128xi32, #tpu.memory_space<hbm>> -> memref<1x40x128xi32, #tpu.memory_space<hbm>>
      %dma_wait3A_36 = tpu.memref_squeeze %dma_wait3A_35 : memref<1x40x128xi32, #tpu.memory_space<hbm>> -> memref<40x128xi32, #tpu.memory_space<hbm>>
      %dma_wait3A_37 = arith.constant 0 : i32
      %dma_wait3A_38 = arith.constant 0 : i32
      %dma_wait3A_39 = tpu.memref_slice %arg4[%add3A, %dma_wait3A_37, %dma_wait3A_38] : memref<32x40x128xi32, #tpu.memory_space<hbm>> -> memref<1x40x128xi32, #tpu.memory_space<hbm>>
      %dma_wait3A_40 = tpu.memref_squeeze %dma_wait3A_39 : memref<1x40x128xi32, #tpu.memory_space<hbm>> -> memref<40x128xi32, #tpu.memory_space<hbm>>
      tpu.wait_dma2 semaphore(%run_scoped3A : memref<!tpu.dma_semaphore, #tpu.memory_space<semaphore_mem>>) src(%dma_wait3A_40 : memref<40x128xi32, #tpu.memory_space<hbm>>) dst(%arg11 : memref<40x128xi32, #tpu.memory_space<vmem>>)
      tpu.yield
    }) : () -> ()
    %barrier3A = arith.constant 0 : index
    tpu.barrier barrier_id(%barrier3A)
    %dma_start3A = arith.constant 0 : i32
    %dma_start3A_3 = arith.constant 0 : i32
    %dma_start3A_4 = tpu.memref_slice %arg10[%dma_start3A, %dma_start3A_3] : memref<40x128xi32, #tpu.memory_space<vmem>> -> memref<1x128xi32, #tpu.memory_space<vmem>>
    %dma_start3A_5 = tpu.memref_squeeze %dma_start3A_4 : memref<1x128xi32, #tpu.memory_space<vmem>> -> memref<128xi32, #tpu.memory_space<vmem>>
    %dma_start3A_6 = arith.constant 0 : i32
    %dma_start3A_7 = arith.constant 0 : i32
    %dma_start3A_8 = tpu.memref_slice %arg2[%dma_start3A_6, %dma_start3A_7] : memref<10240x128xf32, #tpu.memory_space<hbm>> -> memref<10240x128xf32, #tpu.memory_space<hbm>>
    tpu.enqueue_indirect_dma source(%dma_start3A_8 : memref<10240x128xf32, #tpu.memory_space<hbm>>) target(%arg8 : memref<128x128xf32, #tpu.memory_space<vmem>>) offsets(%dma_start3A_5 : memref<128xi32, #tpu.memory_space<vmem>>) semaphore(%arg12 : memref<!tpu.dma_semaphore, #tpu.memory_space<semaphore_mem>>)
    %dma_start3A_9 = arith.constant 1 : i32
    %dma_start3A_10 = arith.constant 0 : i32
    %dma_start3A_11 = tpu.memref_slice %arg10[%dma_start3A_9, %dma_start3A_10] : memref<40x128xi32, #tpu.memory_space<vmem>> -> memref<1x128xi32, #tpu.memory_space<vmem>>
    %dma_start3A_12 = tpu.memref_squeeze %dma_start3A_11 : memref<1x128xi32, #tpu.memory_space<vmem>> -> memref<128xi32, #tpu.memory_space<vmem>>
    %dma_start3A_13 = arith.constant 0 : i32
    %dma_start3A_14 = arith.constant 0 : i32
    %dma_start3A_15 = tpu.memref_slice %arg2[%dma_start3A_13, %dma_start3A_14] : memref<10240x128xf32, #tpu.memory_space<hbm>> -> memref<10240x128xf32, #tpu.memory_space<hbm>>
    tpu.enqueue_indirect_dma source(%dma_start3A_15 : memref<10240x128xf32, #tpu.memory_space<hbm>>) target(%arg9 : memref<128x128xf32, #tpu.memory_space<vmem>>) offsets(%dma_start3A_12 : memref<128xi32, #tpu.memory_space<vmem>>) semaphore(%arg13 : memref<!tpu.dma_semaphore, #tpu.memory_space<semaphore_mem>>)
    %scan3A = arith.constant 0 : i32
    %scan3A_16 = arith.constant 0 : i32
    %scan3A_17 = arith.constant 20 : i32
    %scan3A_18 = arith.addi %scan3A_16, %scan3A_17 : i32
    %scan3A_19 = arith.constant 1 : i32
    scf.for %scan3A_26 = %scan3A_16 to %scan3A_18 step %scan3A_19  : i32 {
      %mul3A_27 = arith.constant 2 : i32
      %mul3A_28 = arith.muli %scan3A_26, %mul3A_27 : i32
      %add3A_29 = arith.constant 0 : i32
      %add3A_30 = arith.addi %mul3A_28, %add3A_29 : i32
      %dma_wait3A = arith.constant 0 : i32
      %dma_wait3A_31 = arith.constant 0 : i32
      %dma_wait3A_32 = tpu.memref_slice %arg10[%dma_wait3A, %dma_wait3A_31] : memref<40x128xi32, #tpu.memory_space<vmem>> -> memref<1x128xi32, #tpu.memory_space<vmem>>
      %dma_wait3A_33 = tpu.memref_squeeze %dma_wait3A_32 : memref<1x128xi32, #tpu.memory_space<vmem>> -> memref<128xi32, #tpu.memory_space<vmem>>
      %dma_wait3A_34 = arith.constant 0 : i32
      %dma_wait3A_35 = arith.constant 0 : i32
      %dma_wait3A_36 = tpu.memref_slice %arg2[%dma_wait3A_34, %dma_wait3A_35] : memref<10240x128xf32, #tpu.memory_space<hbm>> -> memref<10240x128xf32, #tpu.memory_space<hbm>>
      tpu.wait_indirect_dma semaphore(%arg12 : memref<!tpu.dma_semaphore, #tpu.memory_space<semaphore_mem>>) src(%dma_wait3A_36 : memref<10240x128xf32, #tpu.memory_space<hbm>>) dst(%arg8 : memref<128x128xf32, #tpu.memory_space<vmem>>)
      "tpu.region"() ({
        %run_scoped3A = tpu.sem_alloc : memref<!tpu.dma_semaphore, #tpu.memory_space<semaphore_mem>>
        %dma_start3A_59 = arith.constant 0 : i32
        %dma_start3A_60 = tpu.memref_slice %arg11[%add3A_30, %dma_start3A_59] : memref<40x128xi32, #tpu.memory_space<vmem>> -> memref<1x128xi32, #tpu.memory_space<vmem>>
        %dma_start3A_61 = tpu.memref_squeeze %dma_start3A_60 : memref<1x128xi32, #tpu.memory_space<vmem>> -> memref<128xi32, #tpu.memory_space<vmem>>
        %dma_start3A_62 = arith.constant 0 : i32
        %dma_start3A_63 = arith.constant 0 : i32
        %dma_start3A_64 = tpu.memref_slice %arg7[%dma_start3A_62, %dma_start3A_63] : memref<10240x128xf32, #tpu.memory_space<vmem_shared>> -> memref<10240x128xf32, #tpu.memory_space<vmem_shared>>
        tpu.enqueue_indirect_dma source(%arg8 : memref<128x128xf32, #tpu.memory_space<vmem>>) target(%dma_start3A_64 : memref<10240x128xf32, #tpu.memory_space<vmem_shared>>) offsets(%dma_start3A_61 : memref<128xi32, #tpu.memory_space<vmem>>) semaphore(%run_scoped3A : memref<!tpu.dma_semaphore, #tpu.memory_space<semaphore_mem>>) {add = true}
        %dma_wait3A_65 = arith.constant 0 : i32
        %dma_wait3A_66 = tpu.memref_slice %arg11[%add3A_30, %dma_wait3A_65] : memref<40x128xi32, #tpu.memory_space<vmem>> -> memref<1x128xi32, #tpu.memory_space<vmem>>
        %dma_wait3A_67 = tpu.memref_squeeze %dma_wait3A_66 : memref<1x128xi32, #tpu.memory_space<vmem>> -> memref<128xi32, #tpu.memory_space<vmem>>
        %dma_wait3A_68 = arith.constant 0 : i32
        %dma_wait3A_69 = arith.constant 0 : i32
        %dma_wait3A_70 = tpu.memref_slice %arg7[%dma_wait3A_68, %dma_wait3A_69] : memref<10240x128xf32, #tpu.memory_space<vmem_shared>> -> memref<10240x128xf32, #tpu.memory_space<vmem_shared>>
        tpu.wait_indirect_dma semaphore(%run_scoped3A : memref<!tpu.dma_semaphore, #tpu.memory_space<semaphore_mem>>) src(%arg8 : memref<128x128xf32, #tpu.memory_space<vmem>>) dst(%dma_wait3A_70 : memref<10240x128xf32, #tpu.memory_space<vmem_shared>>)
        tpu.yield
      }) : () -> ()
      %add3A_37 = arith.constant 2 : i32
      %add3A_38 = arith.addi %add3A_30, %add3A_37 : i32
      %lt3A = arith.constant 40 : i32
      %lt3A_39 = arith.cmpi slt, %add3A_38, %lt3A : i32
      %convert_element_type3A = arith.extui %lt3A_39 : i1 to i32
      %cond3A = arith.constant 0 : i32
      %cond3A_40 = arith.cmpi ne, %convert_element_type3A, %cond3A : i32
      scf.if %cond3A_40 {
        %add3A_59 = arith.constant 2 : i32
        %add3A_60 = arith.addi %add3A_30, %add3A_59 : i32
        %dma_start3A_61 = arith.constant 0 : i32
        %dma_start3A_62 = tpu.memref_slice %arg10[%add3A_60, %dma_start3A_61] : memref<40x128xi32, #tpu.memory_space<vmem>> -> memref<1x128xi32, #tpu.memory_space<vmem>>
        %dma_start3A_63 = tpu.memref_squeeze %dma_start3A_62 : memref<1x128xi32, #tpu.memory_space<vmem>> -> memref<128xi32, #tpu.memory_space<vmem>>
        %dma_start3A_64 = arith.constant 0 : i32
        %dma_start3A_65 = arith.constant 0 : i32
        %dma_start3A_66 = tpu.memref_slice %arg2[%dma_start3A_64, %dma_start3A_65] : memref<10240x128xf32, #tpu.memory_space<hbm>> -> memref<10240x128xf32, #tpu.memory_space<hbm>>
        tpu.enqueue_indirect_dma source(%dma_start3A_66 : memref<10240x128xf32, #tpu.memory_space<hbm>>) target(%arg8 : memref<128x128xf32, #tpu.memory_space<vmem>>) offsets(%dma_start3A_63 : memref<128xi32, #tpu.memory_space<vmem>>) semaphore(%arg12 : memref<!tpu.dma_semaphore, #tpu.memory_space<semaphore_mem>>)
      } else {
      }
      %mul3A_41 = arith.constant 2 : i32
      %mul3A_42 = arith.muli %scan3A_26, %mul3A_41 : i32
      %add3A_43 = arith.constant 1 : i32
      %add3A_44 = arith.addi %mul3A_42, %add3A_43 : i32
      %dma_wait3A_45 = arith.constant 0 : i32
      %dma_wait3A_46 = arith.constant 0 : i32
      %dma_wait3A_47 = tpu.memref_slice %arg10[%dma_wait3A_45, %dma_wait3A_46] : memref<40x128xi32, #tpu.memory_space<vmem>> -> memref<1x128xi32, #tpu.memory_space<vmem>>
      %dma_wait3A_48 = tpu.memref_squeeze %dma_wait3A_47 : memref<1x128xi32, #tpu.memory_space<vmem>> -> memref<128xi32, #tpu.memory_space<vmem>>
      %dma_wait3A_49 = arith.constant 0 : i32
      %dma_wait3A_50 = arith.constant 0 : i32
      %dma_wait3A_51 = tpu.memref_slice %arg2[%dma_wait3A_49, %dma_wait3A_50] : memref<10240x128xf32, #tpu.memory_space<hbm>> -> memref<10240x128xf32, #tpu.memory_space<hbm>>
      tpu.wait_indirect_dma semaphore(%arg13 : memref<!tpu.dma_semaphore, #tpu.memory_space<semaphore_mem>>) src(%dma_wait3A_51 : memref<10240x128xf32, #tpu.memory_space<hbm>>) dst(%arg9 : memref<128x128xf32, #tpu.memory_space<vmem>>)
      "tpu.region"() ({
        %run_scoped3A = tpu.sem_alloc : memref<!tpu.dma_semaphore, #tpu.memory_space<semaphore_mem>>
        %dma_start3A_59 = arith.constant 0 : i32
        %dma_start3A_60 = tpu.memref_slice %arg11[%add3A_44, %dma_start3A_59] : memref<40x128xi32, #tpu.memory_space<vmem>> -> memref<1x128xi32, #tpu.memory_space<vmem>>
        %dma_start3A_61 = tpu.memref_squeeze %dma_start3A_60 : memref<1x128xi32, #tpu.memory_space<vmem>> -> memref<128xi32, #tpu.memory_space<vmem>>
        %dma_start3A_62 = arith.constant 0 : i32
        %dma_start3A_63 = arith.constant 0 : i32
        %dma_start3A_64 = tpu.memref_slice %arg7[%dma_start3A_62, %dma_start3A_63] : memref<10240x128xf32, #tpu.memory_space<vmem_shared>> -> memref<10240x128xf32, #tpu.memory_space<vmem_shared>>
        tpu.enqueue_indirect_dma source(%arg9 : memref<128x128xf32, #tpu.memory_space<vmem>>) target(%dma_start3A_64 : memref<10240x128xf32, #tpu.memory_space<vmem_shared>>) offsets(%dma_start3A_61 : memref<128xi32, #tpu.memory_space<vmem>>) semaphore(%run_scoped3A : memref<!tpu.dma_semaphore, #tpu.memory_space<semaphore_mem>>) {add = true}
        %dma_wait3A_65 = arith.constant 0 : i32
        %dma_wait3A_66 = tpu.memref_slice %arg11[%add3A_44, %dma_wait3A_65] : memref<40x128xi32, #tpu.memory_space<vmem>> -> memref<1x128xi32, #tpu.memory_space<vmem>>
        %dma_wait3A_67 = tpu.memref_squeeze %dma_wait3A_66 : memref<1x128xi32, #tpu.memory_space<vmem>> -> memref<128xi32, #tpu.memory_space<vmem>>
        %dma_wait3A_68 = arith.constant 0 : i32
        %dma_wait3A_69 = arith.constant 0 : i32
        %dma_wait3A_70 = tpu.memref_slice %arg7[%dma_wait3A_68, %dma_wait3A_69] : memref<10240x128xf32, #tpu.memory_space<vmem_shared>> -> memref<10240x128xf32, #tpu.memory_space<vmem_shared>>
        tpu.wait_indirect_dma semaphore(%run_scoped3A : memref<!tpu.dma_semaphore, #tpu.memory_space<semaphore_mem>>) src(%arg9 : memref<128x128xf32, #tpu.memory_space<vmem>>) dst(%dma_wait3A_70 : memref<10240x128xf32, #tpu.memory_space<vmem_shared>>)
        tpu.yield
      }) : () -> ()
      %add3A_52 = arith.constant 2 : i32
      %add3A_53 = arith.addi %add3A_44, %add3A_52 : i32
      %lt3A_54 = arith.constant 40 : i32
      %lt3A_55 = arith.cmpi slt, %add3A_53, %lt3A_54 : i32
      %convert_element_type3A_56 = arith.extui %lt3A_55 : i1 to i32
      %cond3A_57 = arith.constant 0 : i32
      %cond3A_58 = arith.cmpi ne, %convert_element_type3A_56, %cond3A_57 : i32
      scf.if %cond3A_58 {
        %add3A_59 = arith.constant 2 : i32
        %add3A_60 = arith.addi %add3A_44, %add3A_59 : i32
        %dma_start3A_61 = arith.constant 0 : i32
        %dma_start3A_62 = tpu.memref_slice %arg10[%add3A_60, %dma_start3A_61] : memref<40x128xi32, #tpu.memory_space<vmem>> -> memref<1x128xi32, #tpu.memory_space<vmem>>
        %dma_start3A_63 = tpu.memref_squeeze %dma_start3A_62 : memref<1x128xi32, #tpu.memory_space<vmem>> -> memref<128xi32, #tpu.memory_space<vmem>>
        %dma_start3A_64 = arith.constant 0 : i32
        %dma_start3A_65 = arith.constant 0 : i32
        %dma_start3A_66 = tpu.memref_slice %arg2[%dma_start3A_64, %dma_start3A_65] : memref<10240x128xf32, #tpu.memory_space<hbm>> -> memref<10240x128xf32, #tpu.memory_space<hbm>>
        tpu.enqueue_indirect_dma source(%dma_start3A_66 : memref<10240x128xf32, #tpu.memory_space<hbm>>) target(%arg9 : memref<128x128xf32, #tpu.memory_space<vmem>>) offsets(%dma_start3A_63 : memref<128xi32, #tpu.memory_space<vmem>>) semaphore(%arg13 : memref<!tpu.dma_semaphore, #tpu.memory_space<semaphore_mem>>)
      } else {
      }
    }
    %scan3A_20 = arith.constant 20 : i32
    %barrier3A_21 = arith.constant 0 : index
    tpu.barrier barrier_id(%barrier3A_21)
    %mul3A_22 = arith.constant 640 : i32
    %mul3A_23 = arith.muli %arg1, %mul3A_22 : i32
    %mul3A_24 = arith.constant 640 : i32
    %mul3A_25 = arith.muli %arg1, %mul3A_24 : i32
    "tpu.region"() ({
      %run_scoped3A = tpu.sem_alloc : memref<!tpu.dma_semaphore, #tpu.memory_space<semaphore_mem>>
      %dma_start3A_26 = arith.constant 0 : i32
      %dma_start3A_27 = tpu.memref_slice %arg6[%arg0, %mul3A_25, %dma_start3A_26] : memref<2x10240x128xf32, #tpu.memory_space<hbm>> -> memref<1x640x128xf32, #tpu.memory_space<hbm>>
      %dma_start3A_28 = tpu.memref_squeeze %dma_start3A_27 : memref<1x640x128xf32, #tpu.memory_space<hbm>> -> memref<640x128xf32, #tpu.memory_space<hbm>>
      %dma_start3A_29 = arith.constant 0 : i32
      %dma_start3A_30 = tpu.memref_slice %arg7[%mul3A_23, %dma_start3A_29] : memref<10240x128xf32, #tpu.memory_space<vmem_shared>> -> memref<640x128xf32, #tpu.memory_space<vmem_shared>>
      tpu.enqueue_dma source(%dma_start3A_30 : memref<640x128xf32, #tpu.memory_space<vmem_shared>>) target(%dma_start3A_28 : memref<640x128xf32, #tpu.memory_space<hbm>>) target_semaphore(%run_scoped3A : memref<!tpu.dma_semaphore, #tpu.memory_space<semaphore_mem>>)
      %dma_wait3A = arith.constant 0 : i32
      %dma_wait3A_31 = tpu.memref_slice %arg6[%arg0, %mul3A_25, %dma_wait3A] : memref<2x10240x128xf32, #tpu.memory_space<hbm>> -> memref<1x640x128xf32, #tpu.memory_space<hbm>>
      %dma_wait3A_32 = tpu.memref_squeeze %dma_wait3A_31 : memref<1x640x128xf32, #tpu.memory_space<hbm>> -> memref<640x128xf32, #tpu.memory_space<hbm>>
      %dma_wait3A_33 = arith.constant 0 : i32
      %dma_wait3A_34 = tpu.memref_slice %arg7[%mul3A_23, %dma_wait3A_33] : memref<10240x128xf32, #tpu.memory_space<vmem_shared>> -> memref<640x128xf32, #tpu.memory_space<vmem_shared>>
      tpu.wait_dma2 semaphore(%run_scoped3A : memref<!tpu.dma_semaphore, #tpu.memory_space<semaphore_mem>>) src(%dma_wait3A_34 : memref<640x128xf32, #tpu.memory_space<vmem_shared>>) dst(%dma_wait3A_32 : memref<640x128xf32, #tpu.memory_space<hbm>>)
      tpu.yield
    }) : () -> ()
    return
  }
}

#map = affine_map<(d0, d1) -> (0, 0)>
#map1 = affine_map<(d0, d1) -> (0, 0, 0)>
module attributes {stable_mosaic.version = 14 : i64} {
  func.func @_agg_kernel(%arg0: i32, %arg1: i32, %arg2: memref<10240x128xf32, #tpu.memory_space<hbm>>, %arg3: memref<32x40x128xi32, #tpu.memory_space<hbm>>, %arg4: memref<32x40x128xi32, #tpu.memory_space<hbm>>, %arg5: memref<640x128xf32, #tpu.memory_space<hbm>>, %arg6: memref<2x10240x128xf32, #tpu.memory_space<hbm>>, %arg7: memref<10240x128xf32, #tpu.memory_space<vmem_shared>>, %arg8: memref<128x128xf32, #tpu.memory_space<vmem>>, %arg9: memref<128x128xf32, #tpu.memory_space<vmem>>, %arg10: memref<40x128xi32, #tpu.memory_space<vmem>>, %arg11: memref<40x128xi32, #tpu.memory_space<vmem>>, %arg12: memref<!tpu.dma_semaphore, #tpu.memory_space<semaphore_mem>>, %arg13: memref<!tpu.dma_semaphore, #tpu.memory_space<semaphore_mem>>) attributes {dimension_semantics = [#tpu.dimension_semantics<core_parallel>, #tpu.dimension_semantics<subcore_parallel>], iteration_bounds = array<i64: 2, 16>, scalar_prefetch = 0 : i64, scratch_operands = 7 : i64, tpu.core_type = #tpu.core_type<sc_vector_subcore>, window_params = [{transform_indices = #map}, {transform_indices = #map1}, {transform_indices = #map1}, {transform_indices = #map}, {transform_indices = #map1}]} {
    %mul3A = arith.constant 16 : i32
    %mul3A_0 = arith.muli %arg0, %mul3A : i32
    %add3A = arith.addi %mul3A_0, %arg1 : i32
    %mul3A_1 = arith.constant 640 : i32
    %mul3A_2 = arith.muli %arg1, %mul3A_1 : i32
    "tpu.region"() ({
      %run_scoped3A = tpu.sem_alloc : memref<!tpu.dma_semaphore, #tpu.memory_space<semaphore_mem>>
      %dma_start3A_26 = arith.constant 0 : i32
      %dma_start3A_27 = tpu.memref_slice %arg7[%mul3A_2, %dma_start3A_26] : memref<10240x128xf32, #tpu.memory_space<vmem_shared>> -> memref<640x128xf32, #tpu.memory_space<vmem_shared>>
      tpu.enqueue_dma source(%arg5 : memref<640x128xf32, #tpu.memory_space<hbm>>) target(%dma_start3A_27 : memref<640x128xf32, #tpu.memory_space<vmem_shared>>) target_semaphore(%run_scoped3A : memref<!tpu.dma_semaphore, #tpu.memory_space<semaphore_mem>>)
      %dma_wait3A = arith.constant 0 : i32
      %dma_wait3A_28 = tpu.memref_slice %arg7[%mul3A_2, %dma_wait3A] : memref<10240x128xf32, #tpu.memory_space<vmem_shared>> -> memref<640x128xf32, #tpu.memory_space<vmem_shared>>
      tpu.wait_dma2 semaphore(%run_scoped3A : memref<!tpu.dma_semaphore, #tpu.memory_space<semaphore_mem>>) src(%arg5 : memref<640x128xf32, #tpu.memory_space<hbm>>) dst(%dma_wait3A_28 : memref<640x128xf32, #tpu.memory_space<vmem_shared>>)
      tpu.yield
    }) : () -> ()
    "tpu.region"() ({
      %run_scoped3A = tpu.sem_alloc : memref<!tpu.dma_semaphore, #tpu.memory_space<semaphore_mem>>
      %dma_start3A_26 = arith.constant 0 : i32
      %dma_start3A_27 = arith.constant 0 : i32
      %dma_start3A_28 = tpu.memref_slice %arg3[%add3A, %dma_start3A_26, %dma_start3A_27] : memref<32x40x128xi32, #tpu.memory_space<hbm>> -> memref<1x40x128xi32, #tpu.memory_space<hbm>>
      %dma_start3A_29 = tpu.memref_squeeze %dma_start3A_28 : memref<1x40x128xi32, #tpu.memory_space<hbm>> -> memref<40x128xi32, #tpu.memory_space<hbm>>
      %dma_start3A_30 = arith.constant 0 : i32
      %dma_start3A_31 = arith.constant 0 : i32
      %dma_start3A_32 = tpu.memref_slice %arg3[%add3A, %dma_start3A_30, %dma_start3A_31] : memref<32x40x128xi32, #tpu.memory_space<hbm>> -> memref<1x40x128xi32, #tpu.memory_space<hbm>>
      %dma_start3A_33 = tpu.memref_squeeze %dma_start3A_32 : memref<1x40x128xi32, #tpu.memory_space<hbm>> -> memref<40x128xi32, #tpu.memory_space<hbm>>
      tpu.enqueue_dma source(%dma_start3A_33 : memref<40x128xi32, #tpu.memory_space<hbm>>) target(%arg10 : memref<40x128xi32, #tpu.memory_space<vmem>>) target_semaphore(%run_scoped3A : memref<!tpu.dma_semaphore, #tpu.memory_space<semaphore_mem>>)
      %dma_wait3A = arith.constant 0 : i32
      %dma_wait3A_34 = arith.constant 0 : i32
      %dma_wait3A_35 = tpu.memref_slice %arg3[%add3A, %dma_wait3A, %dma_wait3A_34] : memref<32x40x128xi32, #tpu.memory_space<hbm>> -> memref<1x40x128xi32, #tpu.memory_space<hbm>>
      %dma_wait3A_36 = tpu.memref_squeeze %dma_wait3A_35 : memref<1x40x128xi32, #tpu.memory_space<hbm>> -> memref<40x128xi32, #tpu.memory_space<hbm>>
      %dma_wait3A_37 = arith.constant 0 : i32
      %dma_wait3A_38 = arith.constant 0 : i32
      %dma_wait3A_39 = tpu.memref_slice %arg3[%add3A, %dma_wait3A_37, %dma_wait3A_38] : memref<32x40x128xi32, #tpu.memory_space<hbm>> -> memref<1x40x128xi32, #tpu.memory_space<hbm>>
      %dma_wait3A_40 = tpu.memref_squeeze %dma_wait3A_39 : memref<1x40x128xi32, #tpu.memory_space<hbm>> -> memref<40x128xi32, #tpu.memory_space<hbm>>
      tpu.wait_dma2 semaphore(%run_scoped3A : memref<!tpu.dma_semaphore, #tpu.memory_space<semaphore_mem>>) src(%dma_wait3A_40 : memref<40x128xi32, #tpu.memory_space<hbm>>) dst(%arg10 : memref<40x128xi32, #tpu.memory_space<vmem>>)
      tpu.yield
    }) : () -> ()
    "tpu.region"() ({
      %run_scoped3A = tpu.sem_alloc : memref<!tpu.dma_semaphore, #tpu.memory_space<semaphore_mem>>
      %dma_start3A_26 = arith.constant 0 : i32
      %dma_start3A_27 = arith.constant 0 : i32
      %dma_start3A_28 = tpu.memref_slice %arg4[%add3A, %dma_start3A_26, %dma_start3A_27] : memref<32x40x128xi32, #tpu.memory_space<hbm>> -> memref<1x40x128xi32, #tpu.memory_space<hbm>>
      %dma_start3A_29 = tpu.memref_squeeze %dma_start3A_28 : memref<1x40x128xi32, #tpu.memory_space<hbm>> -> memref<40x128xi32, #tpu.memory_space<hbm>>
      %dma_start3A_30 = arith.constant 0 : i32
      %dma_start3A_31 = arith.constant 0 : i32
      %dma_start3A_32 = tpu.memref_slice %arg4[%add3A, %dma_start3A_30, %dma_start3A_31] : memref<32x40x128xi32, #tpu.memory_space<hbm>> -> memref<1x40x128xi32, #tpu.memory_space<hbm>>
      %dma_start3A_33 = tpu.memref_squeeze %dma_start3A_32 : memref<1x40x128xi32, #tpu.memory_space<hbm>> -> memref<40x128xi32, #tpu.memory_space<hbm>>
      tpu.enqueue_dma source(%dma_start3A_33 : memref<40x128xi32, #tpu.memory_space<hbm>>) target(%arg11 : memref<40x128xi32, #tpu.memory_space<vmem>>) target_semaphore(%run_scoped3A : memref<!tpu.dma_semaphore, #tpu.memory_space<semaphore_mem>>)
      %dma_wait3A = arith.constant 0 : i32
      %dma_wait3A_34 = arith.constant 0 : i32
      %dma_wait3A_35 = tpu.memref_slice %arg4[%add3A, %dma_wait3A, %dma_wait3A_34] : memref<32x40x128xi32, #tpu.memory_space<hbm>> -> memref<1x40x128xi32, #tpu.memory_space<hbm>>
      %dma_wait3A_36 = tpu.memref_squeeze %dma_wait3A_35 : memref<1x40x128xi32, #tpu.memory_space<hbm>> -> memref<40x128xi32, #tpu.memory_space<hbm>>
      %dma_wait3A_37 = arith.constant 0 : i32
      %dma_wait3A_38 = arith.constant 0 : i32
      %dma_wait3A_39 = tpu.memref_slice %arg4[%add3A, %dma_wait3A_37, %dma_wait3A_38] : memref<32x40x128xi32, #tpu.memory_space<hbm>> -> memref<1x40x128xi32, #tpu.memory_space<hbm>>
      %dma_wait3A_40 = tpu.memref_squeeze %dma_wait3A_39 : memref<1x40x128xi32, #tpu.memory_space<hbm>> -> memref<40x128xi32, #tpu.memory_space<hbm>>
      tpu.wait_dma2 semaphore(%run_scoped3A : memref<!tpu.dma_semaphore, #tpu.memory_space<semaphore_mem>>) src(%dma_wait3A_40 : memref<40x128xi32, #tpu.memory_space<hbm>>) dst(%arg11 : memref<40x128xi32, #tpu.memory_space<vmem>>)
      tpu.yield
    }) : () -> ()
    %barrier3A = arith.constant 0 : index
    tpu.barrier barrier_id(%barrier3A)
    %dma_start3A = arith.constant 0 : i32
    %dma_start3A_3 = arith.constant 0 : i32
    %dma_start3A_4 = tpu.memref_slice %arg10[%dma_start3A, %dma_start3A_3] : memref<40x128xi32, #tpu.memory_space<vmem>> -> memref<1x128xi32, #tpu.memory_space<vmem>>
    %dma_start3A_5 = tpu.memref_squeeze %dma_start3A_4 : memref<1x128xi32, #tpu.memory_space<vmem>> -> memref<128xi32, #tpu.memory_space<vmem>>
    %dma_start3A_6 = arith.constant 0 : i32
    %dma_start3A_7 = arith.constant 0 : i32
    %dma_start3A_8 = tpu.memref_slice %arg2[%dma_start3A_6, %dma_start3A_7] : memref<10240x128xf32, #tpu.memory_space<hbm>> -> memref<10240x128xf32, #tpu.memory_space<hbm>>
    tpu.enqueue_indirect_dma source(%dma_start3A_8 : memref<10240x128xf32, #tpu.memory_space<hbm>>) target(%arg8 : memref<128x128xf32, #tpu.memory_space<vmem>>) offsets(%dma_start3A_5 : memref<128xi32, #tpu.memory_space<vmem>>) semaphore(%arg12 : memref<!tpu.dma_semaphore, #tpu.memory_space<semaphore_mem>>)
    %dma_start3A_9 = arith.constant 1 : i32
    %dma_start3A_10 = arith.constant 0 : i32
    %dma_start3A_11 = tpu.memref_slice %arg10[%dma_start3A_9, %dma_start3A_10] : memref<40x128xi32, #tpu.memory_space<vmem>> -> memref<1x128xi32, #tpu.memory_space<vmem>>
    %dma_start3A_12 = tpu.memref_squeeze %dma_start3A_11 : memref<1x128xi32, #tpu.memory_space<vmem>> -> memref<128xi32, #tpu.memory_space<vmem>>
    %dma_start3A_13 = arith.constant 0 : i32
    %dma_start3A_14 = arith.constant 0 : i32
    %dma_start3A_15 = tpu.memref_slice %arg2[%dma_start3A_13, %dma_start3A_14] : memref<10240x128xf32, #tpu.memory_space<hbm>> -> memref<10240x128xf32, #tpu.memory_space<hbm>>
    tpu.enqueue_indirect_dma source(%dma_start3A_15 : memref<10240x128xf32, #tpu.memory_space<hbm>>) target(%arg9 : memref<128x128xf32, #tpu.memory_space<vmem>>) offsets(%dma_start3A_12 : memref<128xi32, #tpu.memory_space<vmem>>) semaphore(%arg13 : memref<!tpu.dma_semaphore, #tpu.memory_space<semaphore_mem>>)
    %scan3A = arith.constant 0 : i32
    %scan3A_16 = arith.constant 0 : i32
    %scan3A_17 = arith.constant 20 : i32
    %scan3A_18 = arith.addi %scan3A_16, %scan3A_17 : i32
    %scan3A_19 = arith.constant 1 : i32
    scf.for %scan3A_26 = %scan3A_16 to %scan3A_18 step %scan3A_19  : i32 {
      %mul3A_27 = arith.constant 2 : i32
      %mul3A_28 = arith.muli %scan3A_26, %mul3A_27 : i32
      %add3A_29 = arith.constant 0 : i32
      %add3A_30 = arith.addi %mul3A_28, %add3A_29 : i32
      %dma_wait3A = arith.constant 0 : i32
      %dma_wait3A_31 = arith.constant 0 : i32
      %dma_wait3A_32 = tpu.memref_slice %arg10[%dma_wait3A, %dma_wait3A_31] : memref<40x128xi32, #tpu.memory_space<vmem>> -> memref<1x128xi32, #tpu.memory_space<vmem>>
      %dma_wait3A_33 = tpu.memref_squeeze %dma_wait3A_32 : memref<1x128xi32, #tpu.memory_space<vmem>> -> memref<128xi32, #tpu.memory_space<vmem>>
      %dma_wait3A_34 = arith.constant 0 : i32
      %dma_wait3A_35 = arith.constant 0 : i32
      %dma_wait3A_36 = tpu.memref_slice %arg2[%dma_wait3A_34, %dma_wait3A_35] : memref<10240x128xf32, #tpu.memory_space<hbm>> -> memref<10240x128xf32, #tpu.memory_space<hbm>>
      tpu.wait_indirect_dma semaphore(%arg12 : memref<!tpu.dma_semaphore, #tpu.memory_space<semaphore_mem>>) src(%dma_wait3A_36 : memref<10240x128xf32, #tpu.memory_space<hbm>>) dst(%arg8 : memref<128x128xf32, #tpu.memory_space<vmem>>)
      "tpu.region"() ({
        %run_scoped3A = tpu.sem_alloc : memref<!tpu.dma_semaphore, #tpu.memory_space<semaphore_mem>>
        %dma_start3A_59 = arith.constant 0 : i32
        %dma_start3A_60 = tpu.memref_slice %arg11[%add3A_30, %dma_start3A_59] : memref<40x128xi32, #tpu.memory_space<vmem>> -> memref<1x128xi32, #tpu.memory_space<vmem>>
        %dma_start3A_61 = tpu.memref_squeeze %dma_start3A_60 : memref<1x128xi32, #tpu.memory_space<vmem>> -> memref<128xi32, #tpu.memory_space<vmem>>
        %dma_start3A_62 = arith.constant 0 : i32
        %dma_start3A_63 = arith.constant 0 : i32
        %dma_start3A_64 = tpu.memref_slice %arg7[%dma_start3A_62, %dma_start3A_63] : memref<10240x128xf32, #tpu.memory_space<vmem_shared>> -> memref<10240x128xf32, #tpu.memory_space<vmem_shared>>
        tpu.enqueue_indirect_dma source(%arg8 : memref<128x128xf32, #tpu.memory_space<vmem>>) target(%dma_start3A_64 : memref<10240x128xf32, #tpu.memory_space<vmem_shared>>) offsets(%dma_start3A_61 : memref<128xi32, #tpu.memory_space<vmem>>) semaphore(%run_scoped3A : memref<!tpu.dma_semaphore, #tpu.memory_space<semaphore_mem>>) {add = true}
        %dma_wait3A_65 = arith.constant 0 : i32
        %dma_wait3A_66 = tpu.memref_slice %arg11[%add3A_30, %dma_wait3A_65] : memref<40x128xi32, #tpu.memory_space<vmem>> -> memref<1x128xi32, #tpu.memory_space<vmem>>
        %dma_wait3A_67 = tpu.memref_squeeze %dma_wait3A_66 : memref<1x128xi32, #tpu.memory_space<vmem>> -> memref<128xi32, #tpu.memory_space<vmem>>
        %dma_wait3A_68 = arith.constant 0 : i32
        %dma_wait3A_69 = arith.constant 0 : i32
        %dma_wait3A_70 = tpu.memref_slice %arg7[%dma_wait3A_68, %dma_wait3A_69] : memref<10240x128xf32, #tpu.memory_space<vmem_shared>> -> memref<10240x128xf32, #tpu.memory_space<vmem_shared>>
        tpu.wait_indirect_dma semaphore(%run_scoped3A : memref<!tpu.dma_semaphore, #tpu.memory_space<semaphore_mem>>) src(%arg8 : memref<128x128xf32, #tpu.memory_space<vmem>>) dst(%dma_wait3A_70 : memref<10240x128xf32, #tpu.memory_space<vmem_shared>>)
        tpu.yield
      }) : () -> ()
      %add3A_37 = arith.constant 2 : i32
      %add3A_38 = arith.addi %add3A_30, %add3A_37 : i32
      %lt3A = arith.constant 40 : i32
      %lt3A_39 = arith.cmpi slt, %add3A_38, %lt3A : i32
      %convert_element_type3A = arith.extui %lt3A_39 : i1 to i32
      %cond3A = arith.constant 0 : i32
      %cond3A_40 = arith.cmpi ne, %convert_element_type3A, %cond3A : i32
      scf.if %cond3A_40 {
        %add3A_59 = arith.constant 2 : i32
        %add3A_60 = arith.addi %add3A_30, %add3A_59 : i32
        %dma_start3A_61 = arith.constant 0 : i32
        %dma_start3A_62 = tpu.memref_slice %arg10[%add3A_60, %dma_start3A_61] : memref<40x128xi32, #tpu.memory_space<vmem>> -> memref<1x128xi32, #tpu.memory_space<vmem>>
        %dma_start3A_63 = tpu.memref_squeeze %dma_start3A_62 : memref<1x128xi32, #tpu.memory_space<vmem>> -> memref<128xi32, #tpu.memory_space<vmem>>
        %dma_start3A_64 = arith.constant 0 : i32
        %dma_start3A_65 = arith.constant 0 : i32
        %dma_start3A_66 = tpu.memref_slice %arg2[%dma_start3A_64, %dma_start3A_65] : memref<10240x128xf32, #tpu.memory_space<hbm>> -> memref<10240x128xf32, #tpu.memory_space<hbm>>
        tpu.enqueue_indirect_dma source(%dma_start3A_66 : memref<10240x128xf32, #tpu.memory_space<hbm>>) target(%arg8 : memref<128x128xf32, #tpu.memory_space<vmem>>) offsets(%dma_start3A_63 : memref<128xi32, #tpu.memory_space<vmem>>) semaphore(%arg12 : memref<!tpu.dma_semaphore, #tpu.memory_space<semaphore_mem>>)
      } else {
      }
      %mul3A_41 = arith.constant 2 : i32
      %mul3A_42 = arith.muli %scan3A_26, %mul3A_41 : i32
      %add3A_43 = arith.constant 1 : i32
      %add3A_44 = arith.addi %mul3A_42, %add3A_43 : i32
      %dma_wait3A_45 = arith.constant 0 : i32
      %dma_wait3A_46 = arith.constant 0 : i32
      %dma_wait3A_47 = tpu.memref_slice %arg10[%dma_wait3A_45, %dma_wait3A_46] : memref<40x128xi32, #tpu.memory_space<vmem>> -> memref<1x128xi32, #tpu.memory_space<vmem>>
      %dma_wait3A_48 = tpu.memref_squeeze %dma_wait3A_47 : memref<1x128xi32, #tpu.memory_space<vmem>> -> memref<128xi32, #tpu.memory_space<vmem>>
      %dma_wait3A_49 = arith.constant 0 : i32
      %dma_wait3A_50 = arith.constant 0 : i32
      %dma_wait3A_51 = tpu.memref_slice %arg2[%dma_wait3A_49, %dma_wait3A_50] : memref<10240x128xf32, #tpu.memory_space<hbm>> -> memref<10240x128xf32, #tpu.memory_space<hbm>>
      tpu.wait_indirect_dma semaphore(%arg13 : memref<!tpu.dma_semaphore, #tpu.memory_space<semaphore_mem>>) src(%dma_wait3A_51 : memref<10240x128xf32, #tpu.memory_space<hbm>>) dst(%arg9 : memref<128x128xf32, #tpu.memory_space<vmem>>)
      "tpu.region"() ({
        %run_scoped3A = tpu.sem_alloc : memref<!tpu.dma_semaphore, #tpu.memory_space<semaphore_mem>>
        %dma_start3A_59 = arith.constant 0 : i32
        %dma_start3A_60 = tpu.memref_slice %arg11[%add3A_44, %dma_start3A_59] : memref<40x128xi32, #tpu.memory_space<vmem>> -> memref<1x128xi32, #tpu.memory_space<vmem>>
        %dma_start3A_61 = tpu.memref_squeeze %dma_start3A_60 : memref<1x128xi32, #tpu.memory_space<vmem>> -> memref<128xi32, #tpu.memory_space<vmem>>
        %dma_start3A_62 = arith.constant 0 : i32
        %dma_start3A_63 = arith.constant 0 : i32
        %dma_start3A_64 = tpu.memref_slice %arg7[%dma_start3A_62, %dma_start3A_63] : memref<10240x128xf32, #tpu.memory_space<vmem_shared>> -> memref<10240x128xf32, #tpu.memory_space<vmem_shared>>
        tpu.enqueue_indirect_dma source(%arg9 : memref<128x128xf32, #tpu.memory_space<vmem>>) target(%dma_start3A_64 : memref<10240x128xf32, #tpu.memory_space<vmem_shared>>) offsets(%dma_start3A_61 : memref<128xi32, #tpu.memory_space<vmem>>) semaphore(%run_scoped3A : memref<!tpu.dma_semaphore, #tpu.memory_space<semaphore_mem>>) {add = true}
        %dma_wait3A_65 = arith.constant 0 : i32
        %dma_wait3A_66 = tpu.memref_slice %arg11[%add3A_44, %dma_wait3A_65] : memref<40x128xi32, #tpu.memory_space<vmem>> -> memref<1x128xi32, #tpu.memory_space<vmem>>
        %dma_wait3A_67 = tpu.memref_squeeze %dma_wait3A_66 : memref<1x128xi32, #tpu.memory_space<vmem>> -> memref<128xi32, #tpu.memory_space<vmem>>
        %dma_wait3A_68 = arith.constant 0 : i32
        %dma_wait3A_69 = arith.constant 0 : i32
        %dma_wait3A_70 = tpu.memref_slice %arg7[%dma_wait3A_68, %dma_wait3A_69] : memref<10240x128xf32, #tpu.memory_space<vmem_shared>> -> memref<10240x128xf32, #tpu.memory_space<vmem_shared>>
        tpu.wait_indirect_dma semaphore(%run_scoped3A : memref<!tpu.dma_semaphore, #tpu.memory_space<semaphore_mem>>) src(%arg9 : memref<128x128xf32, #tpu.memory_space<vmem>>) dst(%dma_wait3A_70 : memref<10240x128xf32, #tpu.memory_space<vmem_shared>>)
        tpu.yield
      }) : () -> ()
      %add3A_52 = arith.constant 2 : i32
      %add3A_53 = arith.addi %add3A_44, %add3A_52 : i32
      %lt3A_54 = arith.constant 40 : i32
      %lt3A_55 = arith.cmpi slt, %add3A_53, %lt3A_54 : i32
      %convert_element_type3A_56 = arith.extui %lt3A_55 : i1 to i32
      %cond3A_57 = arith.constant 0 : i32
      %cond3A_58 = arith.cmpi ne, %convert_element_type3A_56, %cond3A_57 : i32
      scf.if %cond3A_58 {
        %add3A_59 = arith.constant 2 : i32
        %add3A_60 = arith.addi %add3A_44, %add3A_59 : i32
        %dma_start3A_61 = arith.constant 0 : i32
        %dma_start3A_62 = tpu.memref_slice %arg10[%add3A_60, %dma_start3A_61] : memref<40x128xi32, #tpu.memory_space<vmem>> -> memref<1x128xi32, #tpu.memory_space<vmem>>
        %dma_start3A_63 = tpu.memref_squeeze %dma_start3A_62 : memref<1x128xi32, #tpu.memory_space<vmem>> -> memref<128xi32, #tpu.memory_space<vmem>>
        %dma_start3A_64 = arith.constant 0 : i32
        %dma_start3A_65 = arith.constant 0 : i32
        %dma_start3A_66 = tpu.memref_slice %arg2[%dma_start3A_64, %dma_start3A_65] : memref<10240x128xf32, #tpu.memory_space<hbm>> -> memref<10240x128xf32, #tpu.memory_space<hbm>>
        tpu.enqueue_indirect_dma source(%dma_start3A_66 : memref<10240x128xf32, #tpu.memory_space<hbm>>) target(%arg9 : memref<128x128xf32, #tpu.memory_space<vmem>>) offsets(%dma_start3A_63 : memref<128xi32, #tpu.memory_space<vmem>>) semaphore(%arg13 : memref<!tpu.dma_semaphore, #tpu.memory_space<semaphore_mem>>)
      } else {
      }
    }
    %scan3A_20 = arith.constant 20 : i32
    %barrier3A_21 = arith.constant 0 : index
    tpu.barrier barrier_id(%barrier3A_21)
    %mul3A_22 = arith.constant 640 : i32
    %mul3A_23 = arith.muli %arg1, %mul3A_22 : i32
    %mul3A_24 = arith.constant 640 : i32
    %mul3A_25 = arith.muli %arg1, %mul3A_24 : i32
    "tpu.region"() ({
      %run_scoped3A = tpu.sem_alloc : memref<!tpu.dma_semaphore, #tpu.memory_space<semaphore_mem>>
      %dma_start3A_26 = arith.constant 0 : i32
      %dma_start3A_27 = tpu.memref_slice %arg6[%arg0, %mul3A_25, %dma_start3A_26] : memref<2x10240x128xf32, #tpu.memory_space<hbm>> -> memref<1x640x128xf32, #tpu.memory_space<hbm>>
      %dma_start3A_28 = tpu.memref_squeeze %dma_start3A_27 : memref<1x640x128xf32, #tpu.memory_space<hbm>> -> memref<640x128xf32, #tpu.memory_space<hbm>>
      %dma_start3A_29 = arith.constant 0 : i32
      %dma_start3A_30 = tpu.memref_slice %arg7[%mul3A_23, %dma_start3A_29] : memref<10240x128xf32, #tpu.memory_space<vmem_shared>> -> memref<640x128xf32, #tpu.memory_space<vmem_shared>>
      tpu.enqueue_dma source(%dma_start3A_30 : memref<640x128xf32, #tpu.memory_space<vmem_shared>>) target(%dma_start3A_28 : memref<640x128xf32, #tpu.memory_space<hbm>>) target_semaphore(%run_scoped3A : memref<!tpu.dma_semaphore, #tpu.memory_space<semaphore_mem>>)
      %dma_wait3A = arith.constant 0 : i32
      %dma_wait3A_31 = tpu.memref_slice %arg6[%arg0, %mul3A_25, %dma_wait3A] : memref<2x10240x128xf32, #tpu.memory_space<hbm>> -> memref<1x640x128xf32, #tpu.memory_space<hbm>>
      %dma_wait3A_32 = tpu.memref_squeeze %dma_wait3A_31 : memref<1x640x128xf32, #tpu.memory_space<hbm>> -> memref<640x128xf32, #tpu.memory_space<hbm>>
      %dma_wait3A_33 = arith.constant 0 : i32
      %dma_wait3A_34 = tpu.memref_slice %arg7[%mul3A_23, %dma_wait3A_33] : memref<10240x128xf32, #tpu.memory_space<vmem_shared>> -> memref<640x128xf32, #tpu.memory_space<vmem_shared>>
      tpu.wait_dma2 semaphore(%run_scoped3A : memref<!tpu.dma_semaphore, #tpu.memory_space<semaphore_mem>>) src(%dma_wait3A_34 : memref<640x128xf32, #tpu.memory_space<vmem_shared>>) dst(%dma_wait3A_32 : memref<640x128xf32, #tpu.memory_space<hbm>>)
      tpu.yield
    }) : () -> ()
    return
  }
}

#map = affine_map<(d0, d1) -> (0, 0, 0)>
#map1 = affine_map<(d0, d1) -> (0, 0)>
module attributes {stable_mosaic.version = 14 : i64} {
  func.func @_deg_kernel(%arg0: i32, %arg1: i32, %arg2: memref<32x40x128xi32, #tpu.memory_space<hbm>>, %arg3: memref<128x128xf32, #tpu.memory_space<hbm>>, %arg4: memref<640x128xf32, #tpu.memory_space<hbm>>, %arg5: memref<2x10240x128xf32, #tpu.memory_space<hbm>>, %arg6: memref<10240x128xf32, #tpu.memory_space<vmem_shared>>, %arg7: memref<128x128xf32, #tpu.memory_space<vmem>>, %arg8: memref<40x128xi32, #tpu.memory_space<vmem>>, %arg9: memref<!tpu.dma_semaphore, #tpu.memory_space<semaphore_mem>>) attributes {dimension_semantics = [#tpu.dimension_semantics<core_parallel>, #tpu.dimension_semantics<subcore_parallel>], iteration_bounds = array<i64: 2, 16>, scalar_prefetch = 0 : i64, scratch_operands = 4 : i64, tpu.core_type = #tpu.core_type<sc_vector_subcore>, window_params = [{transform_indices = #map}, {transform_indices = #map1}, {transform_indices = #map1}, {transform_indices = #map}]} {
    %mul3A = arith.constant 16 : i32
    %mul3A_0 = arith.muli %arg0, %mul3A : i32
    %add3A = arith.addi %mul3A_0, %arg1 : i32
    %mul3A_1 = arith.constant 640 : i32
    %mul3A_2 = arith.muli %arg1, %mul3A_1 : i32
    "tpu.region"() ({
      %run_scoped3A = tpu.sem_alloc : memref<!tpu.dma_semaphore, #tpu.memory_space<semaphore_mem>>
      %dma_start3A = arith.constant 0 : i32
      %dma_start3A_13 = tpu.memref_slice %arg6[%mul3A_2, %dma_start3A] : memref<10240x128xf32, #tpu.memory_space<vmem_shared>> -> memref<640x128xf32, #tpu.memory_space<vmem_shared>>
      tpu.enqueue_dma source(%arg4 : memref<640x128xf32, #tpu.memory_space<hbm>>) target(%dma_start3A_13 : memref<640x128xf32, #tpu.memory_space<vmem_shared>>) target_semaphore(%run_scoped3A : memref<!tpu.dma_semaphore, #tpu.memory_space<semaphore_mem>>)
      %dma_wait3A = arith.constant 0 : i32
      %dma_wait3A_14 = tpu.memref_slice %arg6[%mul3A_2, %dma_wait3A] : memref<10240x128xf32, #tpu.memory_space<vmem_shared>> -> memref<640x128xf32, #tpu.memory_space<vmem_shared>>
      tpu.wait_dma2 semaphore(%run_scoped3A : memref<!tpu.dma_semaphore, #tpu.memory_space<semaphore_mem>>) src(%arg4 : memref<640x128xf32, #tpu.memory_space<hbm>>) dst(%dma_wait3A_14 : memref<640x128xf32, #tpu.memory_space<vmem_shared>>)
      tpu.yield
    }) : () -> ()
    "tpu.region"() ({
      %run_scoped3A = tpu.sem_alloc : memref<!tpu.dma_semaphore, #tpu.memory_space<semaphore_mem>>
      tpu.enqueue_dma source(%arg3 : memref<128x128xf32, #tpu.memory_space<hbm>>) target(%arg7 : memref<128x128xf32, #tpu.memory_space<vmem>>) target_semaphore(%run_scoped3A : memref<!tpu.dma_semaphore, #tpu.memory_space<semaphore_mem>>)
      tpu.wait_dma2 semaphore(%run_scoped3A : memref<!tpu.dma_semaphore, #tpu.memory_space<semaphore_mem>>) src(%arg3 : memref<128x128xf32, #tpu.memory_space<hbm>>) dst(%arg7 : memref<128x128xf32, #tpu.memory_space<vmem>>)
      tpu.yield
    }) : () -> ()
    "tpu.region"() ({
      %run_scoped3A = tpu.sem_alloc : memref<!tpu.dma_semaphore, #tpu.memory_space<semaphore_mem>>
      %dma_start3A = arith.constant 0 : i32
      %dma_start3A_13 = arith.constant 0 : i32
      %dma_start3A_14 = tpu.memref_slice %arg2[%add3A, %dma_start3A, %dma_start3A_13] : memref<32x40x128xi32, #tpu.memory_space<hbm>> -> memref<1x40x128xi32, #tpu.memory_space<hbm>>
      %dma_start3A_15 = tpu.memref_squeeze %dma_start3A_14 : memref<1x40x128xi32, #tpu.memory_space<hbm>> -> memref<40x128xi32, #tpu.memory_space<hbm>>
      %dma_start3A_16 = arith.constant 0 : i32
      %dma_start3A_17 = arith.constant 0 : i32
      %dma_start3A_18 = tpu.memref_slice %arg2[%add3A, %dma_start3A_16, %dma_start3A_17] : memref<32x40x128xi32, #tpu.memory_space<hbm>> -> memref<1x40x128xi32, #tpu.memory_space<hbm>>
      %dma_start3A_19 = tpu.memref_squeeze %dma_start3A_18 : memref<1x40x128xi32, #tpu.memory_space<hbm>> -> memref<40x128xi32, #tpu.memory_space<hbm>>
      tpu.enqueue_dma source(%dma_start3A_19 : memref<40x128xi32, #tpu.memory_space<hbm>>) target(%arg8 : memref<40x128xi32, #tpu.memory_space<vmem>>) target_semaphore(%run_scoped3A : memref<!tpu.dma_semaphore, #tpu.memory_space<semaphore_mem>>)
      %dma_wait3A = arith.constant 0 : i32
      %dma_wait3A_20 = arith.constant 0 : i32
      %dma_wait3A_21 = tpu.memref_slice %arg2[%add3A, %dma_wait3A, %dma_wait3A_20] : memref<32x40x128xi32, #tpu.memory_space<hbm>> -> memref<1x40x128xi32, #tpu.memory_space<hbm>>
      %dma_wait3A_22 = tpu.memref_squeeze %dma_wait3A_21 : memref<1x40x128xi32, #tpu.memory_space<hbm>> -> memref<40x128xi32, #tpu.memory_space<hbm>>
      %dma_wait3A_23 = arith.constant 0 : i32
      %dma_wait3A_24 = arith.constant 0 : i32
      %dma_wait3A_25 = tpu.memref_slice %arg2[%add3A, %dma_wait3A_23, %dma_wait3A_24] : memref<32x40x128xi32, #tpu.memory_space<hbm>> -> memref<1x40x128xi32, #tpu.memory_space<hbm>>
      %dma_wait3A_26 = tpu.memref_squeeze %dma_wait3A_25 : memref<1x40x128xi32, #tpu.memory_space<hbm>> -> memref<40x128xi32, #tpu.memory_space<hbm>>
      tpu.wait_dma2 semaphore(%run_scoped3A : memref<!tpu.dma_semaphore, #tpu.memory_space<semaphore_mem>>) src(%dma_wait3A_26 : memref<40x128xi32, #tpu.memory_space<hbm>>) dst(%arg8 : memref<40x128xi32, #tpu.memory_space<vmem>>)
      tpu.yield
    }) : () -> ()
    %barrier3A = arith.constant 0 : index
    tpu.barrier barrier_id(%barrier3A)
    %scan3A = arith.constant 0 : i32
    %scan3A_3 = arith.constant 0 : i32
    %scan3A_4 = arith.constant 40 : i32
    %scan3A_5 = arith.addi %scan3A_3, %scan3A_4 : i32
    %scan3A_6 = arith.constant 1 : i32
    scf.for %scan3A_13 = %scan3A_3 to %scan3A_5 step %scan3A_6  : i32 {
      "tpu.region"() ({
        %run_scoped3A = tpu.sem_alloc : memref<!tpu.dma_semaphore, #tpu.memory_space<semaphore_mem>>
        %dma_start3A = arith.constant 0 : i32
        %dma_start3A_14 = tpu.memref_slice %arg8[%scan3A_13, %dma_start3A] : memref<40x128xi32, #tpu.memory_space<vmem>> -> memref<1x128xi32, #tpu.memory_space<vmem>>
        %dma_start3A_15 = tpu.memref_squeeze %dma_start3A_14 : memref<1x128xi32, #tpu.memory_space<vmem>> -> memref<128xi32, #tpu.memory_space<vmem>>
        %dma_start3A_16 = arith.constant 0 : i32
        %dma_start3A_17 = arith.constant 0 : i32
        %dma_start3A_18 = tpu.memref_slice %arg6[%dma_start3A_16, %dma_start3A_17] : memref<10240x128xf32, #tpu.memory_space<vmem_shared>> -> memref<10240x128xf32, #tpu.memory_space<vmem_shared>>
        tpu.enqueue_indirect_dma source(%arg7 : memref<128x128xf32, #tpu.memory_space<vmem>>) target(%dma_start3A_18 : memref<10240x128xf32, #tpu.memory_space<vmem_shared>>) offsets(%dma_start3A_15 : memref<128xi32, #tpu.memory_space<vmem>>) semaphore(%run_scoped3A : memref<!tpu.dma_semaphore, #tpu.memory_space<semaphore_mem>>) {add = true}
        %dma_wait3A = arith.constant 0 : i32
        %dma_wait3A_19 = tpu.memref_slice %arg8[%scan3A_13, %dma_wait3A] : memref<40x128xi32, #tpu.memory_space<vmem>> -> memref<1x128xi32, #tpu.memory_space<vmem>>
        %dma_wait3A_20 = tpu.memref_squeeze %dma_wait3A_19 : memref<1x128xi32, #tpu.memory_space<vmem>> -> memref<128xi32, #tpu.memory_space<vmem>>
        %dma_wait3A_21 = arith.constant 0 : i32
        %dma_wait3A_22 = arith.constant 0 : i32
        %dma_wait3A_23 = tpu.memref_slice %arg6[%dma_wait3A_21, %dma_wait3A_22] : memref<10240x128xf32, #tpu.memory_space<vmem_shared>> -> memref<10240x128xf32, #tpu.memory_space<vmem_shared>>
        tpu.wait_indirect_dma semaphore(%run_scoped3A : memref<!tpu.dma_semaphore, #tpu.memory_space<semaphore_mem>>) src(%arg7 : memref<128x128xf32, #tpu.memory_space<vmem>>) dst(%dma_wait3A_23 : memref<10240x128xf32, #tpu.memory_space<vmem_shared>>)
        tpu.yield
      }) : () -> ()
    }
    %scan3A_7 = arith.constant 40 : i32
    %barrier3A_8 = arith.constant 0 : index
    tpu.barrier barrier_id(%barrier3A_8)
    %mul3A_9 = arith.constant 640 : i32
    %mul3A_10 = arith.muli %arg1, %mul3A_9 : i32
    %mul3A_11 = arith.constant 640 : i32
    %mul3A_12 = arith.muli %arg1, %mul3A_11 : i32
    "tpu.region"() ({
      %run_scoped3A = tpu.sem_alloc : memref<!tpu.dma_semaphore, #tpu.memory_space<semaphore_mem>>
      %dma_start3A = arith.constant 0 : i32
      %dma_start3A_13 = tpu.memref_slice %arg5[%arg0, %mul3A_12, %dma_start3A] : memref<2x10240x128xf32, #tpu.memory_space<hbm>> -> memref<1x640x128xf32, #tpu.memory_space<hbm>>
      %dma_start3A_14 = tpu.memref_squeeze %dma_start3A_13 : memref<1x640x128xf32, #tpu.memory_space<hbm>> -> memref<640x128xf32, #tpu.memory_space<hbm>>
      %dma_start3A_15 = arith.constant 0 : i32
      %dma_start3A_16 = tpu.memref_slice %arg6[%mul3A_10, %dma_start3A_15] : memref<10240x128xf32, #tpu.memory_space<vmem_shared>> -> memref<640x128xf32, #tpu.memory_space<vmem_shared>>
      tpu.enqueue_dma source(%dma_start3A_16 : memref<640x128xf32, #tpu.memory_space<vmem_shared>>) target(%dma_start3A_14 : memref<640x128xf32, #tpu.memory_space<hbm>>) target_semaphore(%run_scoped3A : memref<!tpu.dma_semaphore, #tpu.memory_space<semaphore_mem>>)
      %dma_wait3A = arith.constant 0 : i32
      %dma_wait3A_17 = tpu.memref_slice %arg5[%arg0, %mul3A_12, %dma_wait3A] : memref<2x10240x128xf32, #tpu.memory_space<hbm>> -> memref<1x640x128xf32, #tpu.memory_space<hbm>>
      %dma_wait3A_18 = tpu.memref_squeeze %dma_wait3A_17 : memref<1x640x128xf32, #tpu.memory_space<hbm>> -> memref<640x128xf32, #tpu.memory_space<hbm>>
      %dma_wait3A_19 = arith.constant 0 : i32
      %dma_wait3A_20 = tpu.memref_slice %arg6[%mul3A_10, %dma_wait3A_19] : memref<10240x128xf32, #tpu.memory_space<vmem_shared>> -> memref<640x128xf32, #tpu.memory_space<vmem_shared>>
      tpu.wait_dma2 semaphore(%run_scoped3A : memref<!tpu.dma_semaphore, #tpu.memory_space<semaphore_mem>>) src(%dma_wait3A_20 : memref<640x128xf32, #tpu.memory_space<vmem_shared>>) dst(%dma_wait3A_18 : memref<640x128xf32, #tpu.memory_space<hbm>>)
      tpu.yield
    }) : () -> ()
    return
  }
}

module attributes {stable_mosaic.version = 14 : i64} {
  func.func @_k1_body(%arg0: i32, %arg1: memref<256x256xf32, #tpu.memory_space<vmem>>, %arg2: memref<256x128xf32, #tpu.memory_space<vmem>>, %arg3: memref<2x256x128xf32, #tpu.memory_space<vmem>>, %arg4: memref<256x128xf32, #tpu.memory_space<vmem>>) attributes {dimension_semantics = [#tpu.dimension_semantics<arbitrary>], iteration_bounds = array<i64: 40>, scalar_prefetch = 0 : i64, scratch_operands = 0 : i64, tpu.core_type = #tpu.core_type<tc>, window_params = [{transform_indices = @transform_0, window_bounds = array<i64: 256, 256>}, {pipeline_mode = #tpu.pipeline_mode<synchronous>, transform_indices = @transform_1, window_bounds = array<i64: 256, 128>}, {transform_indices = @transform_2, window_bounds = array<i64: 2, 256, 128>}, {transform_indices = @transform_3, window_bounds = array<i64: 256, 128>}]} {
    %get3A = arith.constant 0 : index
    %get3A_0 = arith.constant 0 : index
    %get3A_1 = vector.load %arg1[%get3A, %get3A_0] : memref<256x256xf32, #tpu.memory_space<vmem>>, vector<256x256xf32>
    %get3A_2 = arith.constant 0 : index
    %get3A_3 = arith.constant 0 : index
    %get3A_4 = vector.load %arg2[%get3A_2, %get3A_3] : memref<256x128xf32, #tpu.memory_space<vmem>>, vector<256x128xf32>
    %dot_general3A = arith.constant dense<0.000000e+00> : vector<256x128xf32>
    %dot_general3A_5 = tpu.matmul %get3A_1, %get3A_4, %dot_general3A {dimension_numbers = #tpu.dot_dimension_numbers<[1], [0], [0], [1], [0, 0, 1, 1], [], []>, transpose_lhs_hint = false} : vector<256x256xf32>, vector<256x128xf32>, vector<256x128xf32> -> vector<256x128xf32>
    %get3A_6 = arith.constant 0 : index
    %get3A_7 = arith.constant 0 : index
    %get3A_8 = arith.constant 0 : index
    %get3A_9 = vector.load %arg3[%get3A_6, %get3A_7, %get3A_8] : memref<2x256x128xf32, #tpu.memory_space<vmem>>, vector<1x256x128xf32>
    %get3A_10 = vector.shape_cast %get3A_9 : vector<1x256x128xf32> to vector<256x128xf32>
    %get3A_11 = arith.constant 1 : index
    %get3A_12 = arith.constant 0 : index
    %get3A_13 = arith.constant 0 : index
    %get3A_14 = vector.load %arg3[%get3A_11, %get3A_12, %get3A_13] : memref<2x256x128xf32, #tpu.memory_space<vmem>>, vector<1x256x128xf32>
    %get3A_15 = vector.shape_cast %get3A_14 : vector<1x256x128xf32> to vector<256x128xf32>
    %add3A = arith.addf %get3A_10, %get3A_15 : vector<256x128xf32>
    %add3A_16 = arith.constant 1.000000e+00 : f32
    %add3A_17 = vector.broadcast %add3A_16 : f32 to vector<256x128xf32>
    %add3A_18 = arith.addf %add3A, %add3A_17 : vector<256x128xf32>
    %rsqrt3A = math.rsqrt %add3A_18 : vector<256x128xf32>
    %slice3A = vector.extract_strided_slice %rsqrt3A {offsets = [0, 0], sizes = [256, 1], strides = [1, 1]} : vector<256x128xf32> to vector<256x1xf32>
    %broadcast_in_dim3A = vector.shape_cast %slice3A : vector<256x1xf32> to vector<256x1xf32>
    %broadcast_in_dim3A_19 = vector.broadcast %broadcast_in_dim3A : vector<256x1xf32> to vector<256x128xf32>
    %mul3A = arith.mulf %dot_general3A_5, %broadcast_in_dim3A_19 : vector<256x128xf32>
    %swap3A = arith.constant 0 : index
    %swap3A_20 = arith.constant 0 : index
    %swap3A_21 = vector.load %arg4[%swap3A, %swap3A_20] : memref<256x128xf32, #tpu.memory_space<vmem>>, vector<256x128xf32>
    tpu.vector_store %arg4[%swap3A, %swap3A_20], %mul3A {strides = array<i32>} : memref<256x128xf32, #tpu.memory_space<vmem>>, vector<256x128xf32>,
    return
  }
  func.func @transform_0(%arg0: i32) -> (i32, i32) {
    %c0_i32 = arith.constant 0 : i32
    %c0_i32_0 = arith.constant 0 : i32
    return %arg0, %c0_i32 : i32, i32
  }
  func.func @transform_1(%arg0: i32) -> (i32, i32) {
    %c0_i32 = arith.constant 0 : i32
    %c0_i32_0 = arith.constant 0 : i32
    %c0_i32_1 = arith.constant 0 : i32
    return %c0_i32, %c0_i32_0 : i32, i32
  }
  func.func @transform_2(%arg0: i32) -> (i32, i32, i32) {
    %c0_i32 = arith.constant 0 : i32
    %c0_i32_0 = arith.constant 0 : i32
    %c0_i32_1 = arith.constant 0 : i32
    return %c0_i32, %arg0, %c0_i32_0 : i32, i32, i32
  }
  func.func @transform_3(%arg0: i32) -> (i32, i32) {
    %c0_i32 = arith.constant 0 : i32
    %c0_i32_0 = arith.constant 0 : i32
    return %arg0, %c0_i32 : i32, i32
  }
}

module attributes {stable_mosaic.version = 14 : i64} {
  func.func @_k2_body(%arg0: i32, %arg1: memref<2x256x128xf32, #tpu.memory_space<vmem>>, %arg2: memref<256x128xf32, #tpu.memory_space<vmem>>, %arg3: memref<2x256x128xf32, #tpu.memory_space<vmem>>, %arg4: memref<1x128xf32, #tpu.memory_space<vmem>>, %arg5: memref<128x128xf32, #tpu.memory_space<vmem>>, %arg6: memref<256x128xf32, #tpu.memory_space<vmem>>) attributes {dimension_semantics = [#tpu.dimension_semantics<arbitrary>], iteration_bounds = array<i64: 40>, scalar_prefetch = 0 : i64, scratch_operands = 0 : i64, tpu.core_type = #tpu.core_type<tc>, window_params = [{transform_indices = @transform_0, window_bounds = array<i64: 2, 256, 128>}, {transform_indices = @transform_1, window_bounds = array<i64: 256, 128>}, {transform_indices = @transform_2, window_bounds = array<i64: 2, 256, 128>}, {pipeline_mode = #tpu.pipeline_mode<synchronous>, transform_indices = @transform_3, window_bounds = array<i64: 1, 128>}, {pipeline_mode = #tpu.pipeline_mode<synchronous>, transform_indices = @transform_4, window_bounds = array<i64: 128, 128>}, {transform_indices = @transform_5, window_bounds = array<i64: 256, 128>}]} {
    %get3A = arith.constant 0 : index
    %get3A_0 = arith.constant 0 : index
    %get3A_1 = arith.constant 0 : index
    %get3A_2 = vector.load %arg3[%get3A, %get3A_0, %get3A_1] : memref<2x256x128xf32, #tpu.memory_space<vmem>>, vector<1x256x128xf32>
    %get3A_3 = vector.shape_cast %get3A_2 : vector<1x256x128xf32> to vector<256x128xf32>
    %get3A_4 = arith.constant 1 : index
    %get3A_5 = arith.constant 0 : index
    %get3A_6 = arith.constant 0 : index
    %get3A_7 = vector.load %arg3[%get3A_4, %get3A_5, %get3A_6] : memref<2x256x128xf32, #tpu.memory_space<vmem>>, vector<1x256x128xf32>
    %get3A_8 = vector.shape_cast %get3A_7 : vector<1x256x128xf32> to vector<256x128xf32>
    %add3A = arith.addf %get3A_3, %get3A_8 : vector<256x128xf32>
    %add3A_9 = arith.constant 1.000000e+00 : f32
    %add3A_10 = vector.broadcast %add3A_9 : f32 to vector<256x128xf32>
    %add3A_11 = arith.addf %add3A, %add3A_10 : vector<256x128xf32>
    %rsqrt3A = math.rsqrt %add3A_11 : vector<256x128xf32>
    %slice3A = vector.extract_strided_slice %rsqrt3A {offsets = [0, 0], sizes = [256, 1], strides = [1, 1]} : vector<256x128xf32> to vector<256x1xf32>
    %broadcast_in_dim3A = vector.shape_cast %slice3A : vector<256x1xf32> to vector<256x1xf32>
    %broadcast_in_dim3A_12 = vector.broadcast %broadcast_in_dim3A : vector<256x1xf32> to vector<256x128xf32>
    %get3A_13 = arith.constant 0 : index
    %get3A_14 = arith.constant 0 : index
    %get3A_15 = arith.constant 0 : index
    %get3A_16 = vector.load %arg1[%get3A_13, %get3A_14, %get3A_15] : memref<2x256x128xf32, #tpu.memory_space<vmem>>, vector<1x256x128xf32>
    %get3A_17 = vector.shape_cast %get3A_16 : vector<1x256x128xf32> to vector<256x128xf32>
    %get3A_18 = arith.constant 1 : index
    %get3A_19 = arith.constant 0 : index
    %get3A_20 = arith.constant 0 : index
    %get3A_21 = vector.load %arg1[%get3A_18, %get3A_19, %get3A_20] : memref<2x256x128xf32, #tpu.memory_space<vmem>>, vector<1x256x128xf32>
    %get3A_22 = vector.shape_cast %get3A_21 : vector<1x256x128xf32> to vector<256x128xf32>
    %add3A_23 = arith.addf %get3A_17, %get3A_22 : vector<256x128xf32>
    %get3A_24 = arith.constant 0 : index
    %get3A_25 = arith.constant 0 : index
    %get3A_26 = vector.load %arg2[%get3A_24, %get3A_25] : memref<256x128xf32, #tpu.memory_space<vmem>>, vector<256x128xf32>
    %add3A_27 = arith.addf %add3A_23, %get3A_26 : vector<256x128xf32>
    %mul3A = arith.mulf %broadcast_in_dim3A_12, %add3A_27 : vector<256x128xf32>
    %get3A_28 = arith.constant 0 : index
    %get3A_29 = arith.constant 0 : index
    %get3A_30 = vector.load %arg4[%get3A_28, %get3A_29] : memref<1x128xf32, #tpu.memory_space<vmem>>, vector<1x128xf32>
    %add3A_31 = vector.broadcast %get3A_30 : vector<1x128xf32> to vector<256x128xf32>
    %add3A_32 = arith.addf %mul3A, %add3A_31 : vector<256x128xf32>
    %max3A = arith.constant 0.000000e+00 : f32
    %max3A_33 = vector.broadcast %max3A : f32 to vector<256x128xf32>
    %max3A_34 = arith.maximumf %add3A_32, %max3A_33 : vector<256x128xf32>
    %mul3A_35 = arith.mulf %max3A_34, %broadcast_in_dim3A_12 : vector<256x128xf32>
    %get3A_36 = arith.constant 0 : index
    %get3A_37 = arith.constant 0 : index
    %get3A_38 = vector.load %arg5[%get3A_36, %get3A_37] : memref<128x128xf32, #tpu.memory_space<vmem>>, vector<128x128xf32>
    %dot_general3A = arith.constant dense<0.000000e+00> : vector<256x128xf32>
    %dot_general3A_39 = tpu.matmul %mul3A_35, %get3A_38, %dot_general3A {dimension_numbers = #tpu.dot_dimension_numbers<[1], [0], [0], [1], [0, 0, 1, 1], [], []>, transpose_lhs_hint = false} : vector<256x128xf32>, vector<128x128xf32>, vector<256x128xf32> -> vector<256x128xf32>
    %swap3A = arith.constant 0 : index
    %swap3A_40 = arith.constant 0 : index
    %swap3A_41 = vector.load %arg6[%swap3A, %swap3A_40] : memref<256x128xf32, #tpu.memory_space<vmem>>, vector<256x128xf32>
    tpu.vector_store %arg6[%swap3A, %swap3A_40], %dot_general3A_39 {strides = array<i32>} : memref<256x128xf32, #tpu.memory_space<vmem>>, vector<256x128xf32>,
    return
  }
  func.func @transform_0(%arg0: i32) -> (i32, i32, i32) {
    %c0_i32 = arith.constant 0 : i32
    %c0_i32_0 = arith.constant 0 : i32
    %c0_i32_1 = arith.constant 0 : i32
    return %c0_i32, %arg0, %c0_i32_0 : i32, i32, i32
  }
  func.func @transform_1(%arg0: i32) -> (i32, i32) {
    %c0_i32 = arith.constant 0 : i32
    %c0_i32_0 = arith.constant 0 : i32
    return %arg0, %c0_i32 : i32, i32
  }
  func.func @transform_2(%arg0: i32) -> (i32, i32, i32) {
    %c0_i32 = arith.constant 0 : i32
    %c0_i32_0 = arith.constant 0 : i32
    %c0_i32_1 = arith.constant 0 : i32
    return %c0_i32, %arg0, %c0_i32_0 : i32, i32, i32
  }
  func.func @transform_3(%arg0: i32) -> (i32, i32) {
    %c0_i32 = arith.constant 0 : i32
    %c0_i32_0 = arith.constant 0 : i32
    %c0_i32_1 = arith.constant 0 : i32
    return %c0_i32, %c0_i32_0 : i32, i32
  }
  func.func @transform_4(%arg0: i32) -> (i32, i32) {
    %c0_i32 = arith.constant 0 : i32
    %c0_i32_0 = arith.constant 0 : i32
    %c0_i32_1 = arith.constant 0 : i32
    return %c0_i32, %c0_i32_0 : i32, i32
  }
  func.func @transform_5(%arg0: i32) -> (i32, i32) {
    %c0_i32 = arith.constant 0 : i32
    %c0_i32_0 = arith.constant 0 : i32
    return %arg0, %c0_i32 : i32, i32
  }
}

module attributes {stable_mosaic.version = 14 : i64} {
  func.func @_k3_body(%arg0: i32, %arg1: memref<2x256x128xf32, #tpu.memory_space<vmem>>, %arg2: memref<256x128xf32, #tpu.memory_space<vmem>>, %arg3: memref<2x256x128xf32, #tpu.memory_space<vmem>>, %arg4: memref<1x128xf32, #tpu.memory_space<vmem>>, %arg5: memref<1x1x256xi32, #tpu.memory_space<vmem>>, %arg6: memref<128x128xf32, #tpu.memory_space<vmem>>, %arg7: memref<1x128xf32, #tpu.memory_space<vmem>>, %arg8: memref<16x128xf32, #tpu.memory_space<vmem>>, %arg9: memref<16x128xf32, #tpu.memory_space<vmem>>, %arg10: memref<16x128xf32, #tpu.memory_space<vmem>>) attributes {dimension_semantics = [#tpu.dimension_semantics<arbitrary>], iteration_bounds = array<i64: 40>, scalar_prefetch = 0 : i64, scratch_operands = 2 : i64, tpu.core_type = #tpu.core_type<tc>, window_params = [{transform_indices = @transform_0, window_bounds = array<i64: 2, 256, 128>}, {transform_indices = @transform_1, window_bounds = array<i64: 256, 128>}, {transform_indices = @transform_2, window_bounds = array<i64: 2, 256, 128>}, {pipeline_mode = #tpu.pipeline_mode<synchronous>, transform_indices = @transform_3, window_bounds = array<i64: 1, 128>}, {transform_indices = @transform_4, window_bounds = array<i64: 1, 1, 256>}, {pipeline_mode = #tpu.pipeline_mode<synchronous>, transform_indices = @transform_5, window_bounds = array<i64: 128, 128>}, {pipeline_mode = #tpu.pipeline_mode<synchronous>, transform_indices = @transform_6, window_bounds = array<i64: 1, 128>}, {pipeline_mode = #tpu.pipeline_mode<synchronous>, transform_indices = @transform_7, window_bounds = array<i64: 16, 128>}]} {
    %eq3A = arith.constant 0 : i32
    %eq3A_0 = arith.cmpi eq, %arg0, %eq3A : i32
    %convert_element_type3A = arith.extui %eq3A_0 : i1 to i32
    %cond3A = arith.constant 0 : i32
    %cond3A_1 = arith.cmpi ne, %convert_element_type3A, %cond3A : i32
    scf.if %cond3A_1 {
      %broadcast_in_dim3A_69 = arith.constant 0.000000e+00 : f32
      %broadcast_in_dim3A_70 = vector.broadcast %broadcast_in_dim3A_69 : f32 to vector<16x128xf32>
      %swap3A_71 = arith.constant 0 : index
      %swap3A_72 = arith.constant 0 : index
      %swap3A_73 = vector.load %arg9[%swap3A_71, %swap3A_72] : memref<16x128xf32, #tpu.memory_space<vmem>>, vector<16x128xf32>
      tpu.vector_store %arg9[%swap3A_71, %swap3A_72], %broadcast_in_dim3A_70 {strides = array<i32>} : memref<16x128xf32, #tpu.memory_space<vmem>>, vector<16x128xf32>,
      %broadcast_in_dim3A_74 = arith.constant 0.000000e+00 : f32
      %broadcast_in_dim3A_75 = vector.broadcast %broadcast_in_dim3A_74 : f32 to vector<16x128xf32>
      %swap3A_76 = arith.constant 0 : index
      %swap3A_77 = arith.constant 0 : index
      %swap3A_78 = vector.load %arg10[%swap3A_76, %swap3A_77] : memref<16x128xf32, #tpu.memory_space<vmem>>, vector<16x128xf32>
      tpu.vector_store %arg10[%swap3A_76, %swap3A_77], %broadcast_in_dim3A_75 {strides = array<i32>} : memref<16x128xf32, #tpu.memory_space<vmem>>, vector<16x128xf32>,
    } else {
    }
    %get3A = arith.constant 0 : index
    %get3A_2 = arith.constant 0 : index
    %get3A_3 = arith.constant 0 : index
    %get3A_4 = vector.load %arg3[%get3A, %get3A_2, %get3A_3] : memref<2x256x128xf32, #tpu.memory_space<vmem>>, vector<1x256x128xf32>
    %get3A_5 = vector.shape_cast %get3A_4 : vector<1x256x128xf32> to vector<256x128xf32>
    %get3A_6 = arith.constant 1 : index
    %get3A_7 = arith.constant 0 : index
    %get3A_8 = arith.constant 0 : index
    %get3A_9 = vector.load %arg3[%get3A_6, %get3A_7, %get3A_8] : memref<2x256x128xf32, #tpu.memory_space<vmem>>, vector<1x256x128xf32>
    %get3A_10 = vector.shape_cast %get3A_9 : vector<1x256x128xf32> to vector<256x128xf32>
    %add3A = arith.addf %get3A_5, %get3A_10 : vector<256x128xf32>
    %add3A_11 = arith.constant 1.000000e+00 : f32
    %add3A_12 = vector.broadcast %add3A_11 : f32 to vector<256x128xf32>
    %add3A_13 = arith.addf %add3A, %add3A_12 : vector<256x128xf32>
    %rsqrt3A = math.rsqrt %add3A_13 : vector<256x128xf32>
    %slice3A = vector.extract_strided_slice %rsqrt3A {offsets = [0, 0], sizes = [256, 1], strides = [1, 1]} : vector<256x128xf32> to vector<256x1xf32>
    %broadcast_in_dim3A = vector.shape_cast %slice3A : vector<256x1xf32> to vector<256x1xf32>
    %broadcast_in_dim3A_14 = vector.broadcast %broadcast_in_dim3A : vector<256x1xf32> to vector<256x128xf32>
    %get3A_15 = arith.constant 0 : index
    %get3A_16 = arith.constant 0 : index
    %get3A_17 = arith.constant 0 : index
    %get3A_18 = vector.load %arg1[%get3A_15, %get3A_16, %get3A_17] : memref<2x256x128xf32, #tpu.memory_space<vmem>>, vector<1x256x128xf32>
    %get3A_19 = vector.shape_cast %get3A_18 : vector<1x256x128xf32> to vector<256x128xf32>
    %get3A_20 = arith.constant 1 : index
    %get3A_21 = arith.constant 0 : index
    %get3A_22 = arith.constant 0 : index
    %get3A_23 = vector.load %arg1[%get3A_20, %get3A_21, %get3A_22] : memref<2x256x128xf32, #tpu.memory_space<vmem>>, vector<1x256x128xf32>
    %get3A_24 = vector.shape_cast %get3A_23 : vector<1x256x128xf32> to vector<256x128xf32>
    %add3A_25 = arith.addf %get3A_19, %get3A_24 : vector<256x128xf32>
    %get3A_26 = arith.constant 0 : index
    %get3A_27 = arith.constant 0 : index
    %get3A_28 = vector.load %arg2[%get3A_26, %get3A_27] : memref<256x128xf32, #tpu.memory_space<vmem>>, vector<256x128xf32>
    %add3A_29 = arith.addf %add3A_25, %get3A_28 : vector<256x128xf32>
    %mul3A = arith.mulf %broadcast_in_dim3A_14, %add3A_29 : vector<256x128xf32>
    %get3A_30 = arith.constant 0 : index
    %get3A_31 = arith.constant 0 : index
    %get3A_32 = vector.load %arg4[%get3A_30, %get3A_31] : memref<1x128xf32, #tpu.memory_space<vmem>>, vector<1x128xf32>
    %add3A_33 = vector.broadcast %get3A_32 : vector<1x128xf32> to vector<256x128xf32>
    %add3A_34 = arith.addf %mul3A, %add3A_33 : vector<256x128xf32>
    %max3A = arith.constant 0.000000e+00 : f32
    %max3A_35 = vector.broadcast %max3A : f32 to vector<256x128xf32>
    %max3A_36 = arith.maximumf %add3A_34, %max3A_35 : vector<256x128xf32>
    %get3A_37 = arith.constant 0 : index
    %get3A_38 = arith.constant 0 : index
    %get3A_39 = arith.constant 0 : index
    %get3A_40 = vector.load %arg5[%get3A_37, %get3A_38, %get3A_39] : memref<1x1x256xi32, #tpu.memory_space<vmem>>, vector<1x1x256xi32>
    %get3A_41 = vector.shape_cast %get3A_40 : vector<1x1x256xi32> to vector<1x256xi32>
    %iota3A = tpu.iota {dimensions = array<i32: 0>} : vector<16x256xi32>
    %eq3A_42 = vector.broadcast %get3A_41 : vector<1x256xi32> to vector<16x256xi32>
    %eq3A_43 = arith.cmpi eq, %iota3A, %eq3A_42 : vector<16x256xi32>
    %convert_element_type3A_44 = arith.extui %eq3A_43 : vector<16x256xi1> to vector<16x256xi32>
    %convert_element_type3A_45 = arith.sitofp %convert_element_type3A_44 : vector<16x256xi32> to vector<16x256xf32>
    %get3A_46 = arith.constant 0 : index
    %get3A_47 = arith.constant 0 : index
    %get3A_48 = vector.load %arg9[%get3A_46, %get3A_47] : memref<16x128xf32, #tpu.memory_space<vmem>>, vector<16x128xf32>
    %dot_general3A = arith.constant dense<0.000000e+00> : vector<16x128xf32>
    %dot_general3A_49 = tpu.matmul %convert_element_type3A_45, %max3A_36, %dot_general3A {dimension_numbers = #tpu.dot_dimension_numbers<[1], [0], [0], [1], [0, 0, 1, 1], [], []>, transpose_lhs_hint = false} : vector<16x256xf32>, vector<256x128xf32>, vector<16x128xf32> -> vector<16x128xf32>
    %add3A_50 = arith.addf %get3A_48, %dot_general3A_49 : vector<16x128xf32>
    %swap3A = arith.constant 0 : index
    %swap3A_51 = arith.constant 0 : index
    %swap3A_52 = vector.load %arg9[%swap3A, %swap3A_51] : memref<16x128xf32, #tpu.memory_space<vmem>>, vector<16x128xf32>
    tpu.vector_store %arg9[%swap3A, %swap3A_51], %add3A_50 {strides = array<i32>} : memref<16x128xf32, #tpu.memory_space<vmem>>, vector<16x128xf32>,
    %get3A_53 = arith.constant 0 : index
    %get3A_54 = arith.constant 0 : index
    %get3A_55 = vector.load %arg10[%get3A_53, %get3A_54] : memref<16x128xf32, #tpu.memory_space<vmem>>, vector<16x128xf32>
    %reduce_sum3A = arith.constant dense<0.000000e+00> : vector<16xf32>
    %reduce_sum3A_56 = vector.multi_reduction <add>, %convert_element_type3A_45, %reduce_sum3A [1] : vector<16x256xf32> to vector<16xf32>
    %broadcast_in_dim3A_57 = vector.shape_cast %reduce_sum3A_56 : vector<16xf32> to vector<16x1xf32>
    %broadcast_in_dim3A_58 = vector.shape_cast %broadcast_in_dim3A_57 : vector<16x1xf32> to vector<16x1xf32>
    %broadcast_in_dim3A_59 = vector.broadcast %broadcast_in_dim3A_58 : vector<16x1xf32> to vector<16x128xf32>
    %add3A_60 = arith.addf %get3A_55, %broadcast_in_dim3A_59 : vector<16x128xf32>
    %swap3A_61 = arith.constant 0 : index
    %swap3A_62 = arith.constant 0 : index
    %swap3A_63 = vector.load %arg10[%swap3A_61, %swap3A_62] : memref<16x128xf32, #tpu.memory_space<vmem>>, vector<16x128xf32>
    tpu.vector_store %arg10[%swap3A_61, %swap3A_62], %add3A_60 {strides = array<i32>} : memref<16x128xf32, #tpu.memory_space<vmem>>, vector<16x128xf32>,
    %eq3A_64 = arith.constant 39 : i32
    %eq3A_65 = arith.cmpi eq, %arg0, %eq3A_64 : i32
    %convert_element_type3A_66 = arith.extui %eq3A_65 : i1 to i32
    %cond3A_67 = arith.constant 0 : i32
    %cond3A_68 = arith.cmpi ne, %convert_element_type3A_66, %cond3A_67 : i32
    scf.if %cond3A_68 {
      %get3A_69 = arith.constant 0 : index
      %get3A_70 = arith.constant 0 : index
      %get3A_71 = vector.load %arg9[%get3A_69, %get3A_70] : memref<16x128xf32, #tpu.memory_space<vmem>>, vector<16x128xf32>
      %get3A_72 = arith.constant 0 : index
      %get3A_73 = arith.constant 0 : index
      %get3A_74 = vector.load %arg10[%get3A_72, %get3A_73] : memref<16x128xf32, #tpu.memory_space<vmem>>, vector<16x128xf32>
      %max3A_75 = arith.constant 1.000000e+00 : f32
      %max3A_76 = vector.broadcast %max3A_75 : f32 to vector<16x128xf32>
      %max3A_77 = arith.maximumf %get3A_74, %max3A_76 : vector<16x128xf32>
      %div3A = arith.divf %get3A_71, %max3A_77 : vector<16x128xf32>
      %get3A_78 = arith.constant 0 : index
      %get3A_79 = arith.constant 0 : index
      %get3A_80 = vector.load %arg6[%get3A_78, %get3A_79] : memref<128x128xf32, #tpu.memory_space<vmem>>, vector<128x128xf32>
      %dot_general3A_81 = arith.constant dense<0.000000e+00> : vector<16x128xf32>
      %dot_general3A_82 = tpu.matmul %div3A, %get3A_80, %dot_general3A_81 {dimension_numbers = #tpu.dot_dimension_numbers<[1], [0], [0], [1], [0, 0, 1, 1], [], []>, transpose_lhs_hint = false} : vector<16x128xf32>, vector<128x128xf32>, vector<16x128xf32> -> vector<16x128xf32>
      %get3A_83 = arith.constant 0 : index
      %get3A_84 = arith.constant 0 : index
      %get3A_85 = vector.load %arg7[%get3A_83, %get3A_84] : memref<1x128xf32, #tpu.memory_space<vmem>>, vector<1x128xf32>
      %add3A_86 = vector.broadcast %get3A_85 : vector<1x128xf32> to vector<16x128xf32>
      %add3A_87 = arith.addf %dot_general3A_82, %add3A_86 : vector<16x128xf32>
      %swap3A_88 = arith.constant 0 : index
      %swap3A_89 = arith.constant 0 : index
      %swap3A_90 = vector.load %arg8[%swap3A_88, %swap3A_89] : memref<16x128xf32, #tpu.memory_space<vmem>>, vector<16x128xf32>
      tpu.vector_store %arg8[%swap3A_88, %swap3A_89], %add3A_87 {strides = array<i32>} : memref<16x128xf32, #tpu.memory_space<vmem>>, vector<16x128xf32>,
    } else {
    }
    return
  }
  func.func @transform_0(%arg0: i32) -> (i32, i32, i32) {
    %c0_i32 = arith.constant 0 : i32
    %c0_i32_0 = arith.constant 0 : i32
    %c0_i32_1 = arith.constant 0 : i32
    return %c0_i32, %arg0, %c0_i32_0 : i32, i32, i32
  }
  func.func @transform_1(%arg0: i32) -> (i32, i32) {
    %c0_i32 = arith.constant 0 : i32
    %c0_i32_0 = arith.constant 0 : i32
    return %arg0, %c0_i32 : i32, i32
  }
  func.func @transform_2(%arg0: i32) -> (i32, i32, i32) {
    %c0_i32 = arith.constant 0 : i32
    %c0_i32_0 = arith.constant 0 : i32
    %c0_i32_1 = arith.constant 0 : i32
    return %c0_i32, %arg0, %c0_i32_0 : i32, i32, i32
  }
  func.func @transform_3(%arg0: i32) -> (i32, i32) {
    %c0_i32 = arith.constant 0 : i32
    %c0_i32_0 = arith.constant 0 : i32
    %c0_i32_1 = arith.constant 0 : i32
    return %c0_i32, %c0_i32_0 : i32, i32
  }
  func.func @transform_4(%arg0: i32) -> (i32, i32, i32) {
    %c0_i32 = arith.constant 0 : i32
    %c0_i32_0 = arith.constant 0 : i32
    %c0_i32_1 = arith.constant 0 : i32
    return %arg0, %c0_i32, %c0_i32_0 : i32, i32, i32
  }
  func.func @transform_5(%arg0: i32) -> (i32, i32) {
    %c0_i32 = arith.constant 0 : i32
    %c0_i32_0 = arith.constant 0 : i32
    %c0_i32_1 = arith.constant 0 : i32
    return %c0_i32, %c0_i32_0 : i32, i32
  }
  func.func @transform_6(%arg0: i32) -> (i32, i32) {
    %c0_i32 = arith.constant 0 : i32
    %c0_i32_0 = arith.constant 0 : i32
    %c0_i32_1 = arith.constant 0 : i32
    return %c0_i32, %c0_i32_0 : i32, i32
  }
  func.func @transform_7(%arg0: i32) -> (i32, i32) {
    %c0_i32 = arith.constant 0 : i32
    %c0_i32_0 = arith.constant 0 : i32
    %c0_i32_1 = arith.constant 0 : i32
    return %c0_i32, %c0_i32_0 : i32, i32
  }
}

</mosaic_0001>

<sc_bundles>
// kernel: kernel.11.cloned.1.call-start
scs
__scs_entry_jumppad:
0x0: {  	(pc) =	sbr.rel $0x88, $3  }
0x1: {  	(tag) =	ssettag $0x0;
	lr =	simm.s32 $0x1  }
0x2: {  	[smem:$0x3F98] =	sst lr;
	_ =	strace $0xD0000000  }
0x3: {  	_ = 	snop  }
0x4: {  	_ = 	snop  }
0x5: {  	_ = 	snop  }
0x6: {  	_ = 	snop  }
0x7: {  	_ = 	snop  }
__scs_overlays_trampoline_lowered:
0x8: {  	[smem:$0x3FA7] =	sst s0  }
0x9: {  	[smem:$0x3FA8] =	sst s1  }
0xa: {  	[smem:$0x3FA9] =	sst s2  }
0xb: {  	[smem:$0x3FAA] =	sst s3  }
0xc: {  	[smem:$0x3FAB] =	sst s4  }
0xd: {  	[smem:$0x3FAC] =	sst s5  }
0xe: {  	[smem:$0x3FAD] =	sst s6  }
0xf: {  	[smem:$0x3FAE] =	sst s7  }
0x10: {  	[smem:$0x3FAF] =	sst s8  }
0x11: {  	[smem:$0x3FB0] =	sst s9;
	s0 =	simm.s32 @!p0 $0x0  }
0x12: {  	s1 =	sld [smem:$0x3F96];
	s0 =	simm.s32 @p0 $0x1  }
0x13: {  	[smem:$0x3FB1] =	sst s0;
	s0 =	simm.s32 @!p1 $0x0  }
0x14: {  	s2 =	sld [smem:$0x3F95];
	s0 =	simm.s32 @p1 $0x1  }
0x15: {  	[smem:$0x3FB2] =	sst s0;
	s0 =	simm.s32 @!p2 $0x0  }
0x16: {  	s3 =	sld [smem:$0x3FDB];
	s0 =	simm.s32 @p2 $0x1  }
0x17: {  	s4 =	simm.s32 $0x1BF5;
	[smem:$0x3FB4] =	sst s0  }
0x18: {  	s0 =	sld [smem:$0x3F97];
	_ =	swait.ge [sflag:s4], $0x0  }
0x19: {  	s7 =	sld [smem:$0x3F98]  }
0x1a: {  	s8 =	sadd.s32 $0xFFFFE003, lr  }
0x1b: {  	s9 =	sadd.s32 $0xFFFFFEF7, lr;
	s5 =	simm.s32 $0xFFFFFFFF;
	p2 =	slt.u32 s8, $0xFFFFF086  }
0x1c: {  	p1 =	slt.u32 s9, $0xF7A;
	s5 =	simm.s32 @!p2 $0x0  }
0x1d: {  	s5 =	simm.s32 @p1 $0x1;
	p0 =	seq.s32 s7, s2  }
0x1e: {  	s7 =	smul.u32 @!p0 $0xF7A, s2;
	p2 =	seq.s32 @!p0 s5, $0x0  }
0x1f: {  	s9 =	smul.u32 $0xF7A, s1;
	s8 =	simm.s32 @!p0 $0x1BF5;
	p2 =	por !p2, p0  }
0x20: {  	[sflag:s8] =	ssyncset.s32 @!p0 $0xFFFFF086;
	s6 =	sadd.s32 @!p0 s3, s7;
	s7 =	simm.s32 @!p0 $0x108  }
0x21: {  	s3 =	sadd.s32 s3, s9;
	s6 =	sadd.s32 @!p0 $0x88, s6;
	s7 =	simm.s32 @p2 $0x1082  }
0x22: {  	[simem:s7], [sflag:s8] =	dma.local @!p0 [hbm:s6], $0xF7A  }
0x23: {  	s9 =	sor.u32 $0xD0000000, s2;
	s6 =	simm.s32 $0x108;
	_ =	swait.ge @!p0 [sflag:s8], $0x0  }
0x24: {  	s3 =	sadd.s32 $0x88, s3;
	s6 =	simm.s32 @!p1 $0x1082;
	[sflag:s4] =	ssyncset.s32 $0xFFFFF086  }
0x25: {  	[simem:s6], [sflag:s4] =	dma.local [hbm:s3], $0xF7A  }
0x26: {  	[smem:$0x3F98] =	sst s1;
	(tag) =	ssettag s2;
	_ =	strace s9  }
0x27: {  	s1 =	sld [smem:$0x3FA8]  }
0x28: {  	s2 =	sld [smem:$0x3FA9]  }
0x29: {  	s4 =	sld [smem:$0x3FAB]  }
0x2a: {  	p0 =	seq.s32 s5, $0x0;
	s5 =	sld [smem:$0x3FAC]  }
0x2b: {  	s6 =	sld [smem:$0x3FAD]  }
0x2c: {  	s7 =	sld [smem:$0x3FAE]  }
0x2d: {  	s3 =	simm.s32 $0x108;
	s8 =	sld [smem:$0x3FAF]  }
0x2e: {  	s3 =	simm.s32 @!p0 $0x1082;
	s9 =	sld [smem:$0x3FB0]  }
0x2f: {  	lr =	sadd.s32 s0, s3;
	s0 =	sld [smem:$0x3FA7]  }
0x30: {  	s3 =	sld [smem:$0x3FAA]  }
0x31: {  	[smem:$0x3FB3] =	sst s10  }
0x32: {  	s10 =	sld [smem:$0x3FB1];
	_ =	sdelay $0x3  }
0x33: {  	p0 =	seq.s32 s10, $0x1;
	s10 =	sld [smem:$0x3FB3];
	_ =	sdelay $0x3  }
0x34: {  	[smem:$0x3FB3] =	sst s10  }
0x35: {  	s10 =	sld [smem:$0x3FB2];
	_ =	sdelay $0x3  }
0x36: {  	p1 =	seq.s32 s10, $0x1;
	s10 =	sld [smem:$0x3FB3];
	_ =	sdelay $0x3  }
0x37: {  	[smem:$0x3FB3] =	sst s10  }
0x38: {  	s10 =	sld [smem:$0x3FB4]  }
0x39: {  	_ = 	snop;
	(pc) =	sbr.ind lr, $3  }
0x3a: {  	_ = 	snop  }
0x3b: {  	_ = 	snop  }
0x3c: {  	p2 =	seq.s32 s10, $0x1;
	s10 =	sld [smem:$0x3FB3]  }
0x3d: {  	_ =	shalt  }
0x3e: {  	_ =	shalt  }
0x3f: {  	_ =	shalt  }
0x40: {  	_ =	shalt  }
0x41: {  	_ =	shalt  }
0x42: {  	_ =	shalt  }
0x43: {  	_ =	shalt  }
0x44: {  	_ =	shalt  }
0x45: {  	_ =	shalt  }
0x46: {  	_ =	shalt  }
0x47: {  	_ =	shalt  }
0x48: {  	_ =	shalt  }
0x49: {  	_ =	shalt  }
0x4a: {  	_ =	shalt  }
0x4b: {  	_ =	shalt  }
0x4c: {  	_ =	shalt  }
0x4d: {  	_ =	shalt  }
0x4e: {  	_ =	shalt  }
0x4f: {  	_ =	shalt  }
0x50: {  	_ =	shalt  }
0x51: {  	_ =	shalt  }
0x52: {  	_ =	shalt  }
0x53: {  	_ =	shalt  }
0x54: {  	_ =	shalt  }
0x55: {  	_ =	shalt  }
0x56: {  	_ =	shalt  }
0x57: {  	_ =	shalt  }
0x58: {  	_ =	shalt  }
0x59: {  	_ =	shalt  }
0x5a: {  	_ =	shalt  }
0x5b: {  	_ =	shalt  }
0x5c: {  	_ =	shalt  }
0x5d: {  	_ =	shalt  }
0x5e: {  	_ =	shalt  }
0x5f: {  	_ =	shalt  }
0x60: {  	_ =	shalt  }
0x61: {  	_ =	shalt  }
0x62: {  	_ =	shalt  }
0x63: {  	_ =	shalt  }
0x64: {  	_ =	shalt  }
0x65: {  	_ =	shalt  }
0x66: {  	_ =	shalt  }
0x67: {  	_ =	shalt  }
0x68: {  	_ =	shalt  }
0x69: {  	_ =	shalt  }
0x6a: {  	_ =	shalt  }
0x6b: {  	_ =	shalt  }
0x6c: {  	_ =	shalt  }
0x6d: {  	_ =	shalt  }
0x6e: {  	_ =	shalt  }
0x6f: {  	_ =	shalt  }
0x70: {  	_ =	shalt  }
0x71: {  	_ =	shalt  }
0x72: {  	_ =	shalt  }
0x73: {  	_ =	shalt  }
0x74: {  	_ =	shalt  }
0x75: {  	_ =	shalt  }
0x76: {  	_ =	shalt  }
0x77: {  	_ =	shalt  }
0x78: {  	_ =	shalt  }
0x79: {  	_ =	shalt  }
0x7a: {  	_ =	shalt  }
0x7b: {  	_ =	shalt  }
0x7c: {  	_ =	shalt  }
0x7d: {  	_ =	shalt  }
0x7e: {  	_ =	shalt  }
0x7f: {  	_ =	shalt  }
0x80: {  	_ =	shalt  }
0x81: {  	_ =	shalt  }
0x82: {  	_ =	shalt  }
0x83: {  	_ =	shalt  }
0x84: {  	_ =	shalt  }
0x85: {  	_ =	shalt  }
0x86: {  	_ =	shalt  }
0x87: {  	_ =	shalt  }
.Lfunc_end0:
.L_simem_size_0:
called_computation.1_lowered:
.L_overlay_start_0:
0x88: {  	s2 =	sld [smem:$0x3FD9]  }
0x89: {  	s3 =	sld [smem:$0x3FFE];
	_ =	sdelay $0x1  }
0x8a: {  	s1 =	srdreg.scid  }
0x8b: {  	s0 =	sand.u32 $0x1, s1  }
0x8c: {  	s16 =	sshll.u32 s0, $0xA;
	s2 =	sadd.s32 s3, s2  }
0x8d: {  	s2 =	sadd.s32 s2, s16  }
0x8e: {  	[smem:$0x3FBF] =	sst s2  }
0x8f: {  	_ = 	snop  }
0x90: {  	(tm) =	ssettm $0x1  }
0x91: {  	s17 =	sld [smem:$0x3FFB];
	_ =	sdelay $0x3  }
0x92: {  	_ =	strace s17  }
0x93: {  	s2 =	sld [smem:$0x3FFC];
	_ =	sdelay $0x3  }
0x94: {  	_ =	strace s2  }
0x95: {  	s2 =	sld [smem:$0x3FFD];
	_ =	sdelay $0x3  }
0x96: {  	_ =	strace s2  }
0x97: {  	_ =	strace $0x8FFFFFFF  }
0x98: {  	s18 =	sld [smem:$0x3FDB];
	_ =	sdelay $0x1  }
0x99: {  	s19 =	simm.s32 $_scs_section_size  }
0x9a: {  	s4 =	simm.s32 $_size__tile_overlayer_lowered;
	s5 =	simm.s32 $_tile_overlayer_lowered  }
0x9b: {  	s22 =	simm.s32 $0x1BFF;
	s21 =	sshll.u32 s5, $0x1;
	s2 =	sadd.s32 s19, s18  }
0x9c: {  	s6 =	simm.s32 $0x0;
	s20 =	sshll.u32 s4, $0x1;
	s4 =	sadd.s32 s21, s2  }
0x9d: {  	[timem:s6], [sflag:s22] =	dma.local [hbm:s4], s20  }
0x9e: {  	_ =	swait.ge [sflag:s22], s20  }
0x9f: {  	s3 =	ssub.s32 $0x0, s20;
	[sflag:s22] =	ssyncset.done $0x0  }
0xa0: {  	[sflag:s22] =	ssyncadd.s32 s3;
	_ =	sdelay $0x1  }
0xa1: {  	s23 =	simm.s32 $0x1B8B  }
0xa2: {  	_ =	swait.ge [sflag:s23], $0x1  }
0xa3: {  	[sflag:s23] =	ssyncset.done $0x0  }
0xa4: {  	s25 =	simm.s32 $0x1B8E;
	s24 =	sld [smem:$0x3FFE];
	[sflag:s23] =	ssyncadd.s32 $0xFFFFFFFF  }
0xa5: {  	s26 =	simm.s32 $execute0_lowered;
	[smem:$0x3FD2] =	sst s25  }
0xa6: {  	s4 =	sshll.u32 s26, $0x1;
	_ =	strace $0x80000049;
	[dreg:$0x1] =	wrdreg $0xFFFFFFFF  }
0xa7: {  	s28 =	simm.s32 $_size_execute0_lowered;
	s2 =	sadd.s32 s2, s4;
	[dreg:$0x0] =	wrdreg $0x0  }
0xa8: {  	s4 =	sshll.u32 s28, $0x1;
	[dreg:$0x2] =	wrdreg s2  }
0xa9: {  	[dreg:$0x3] =	wrdreg s4  }
0xaa: {  	[dreg:$0x4] =	wrdreg $0xC0  }
0xab: {  	_ =	task [dreg:s6], $0x5FFFF  }
0xac: {  	[dreg:$0x1] =	wrdreg $0xFFFFFFFF  }
0xad: {  	[dreg:$0x0] =	wrdreg $0x60  }
0xae: {  	[dreg:$0x2] =	wrdreg s24  }
0xaf: {  	[dreg:$0x3] =	wrdreg $0x0  }
0xb0: {  	[dreg:$0x4] =	wrdreg $0x9  }
0xb1: {  	_ =	task.clear_ibuf [dreg:s6], $0x5FFFF;
	_ =	strace $0x90000049  }
0xb2: {  	s29 =	simm.s32 $0x9;
	_ =	strace $0x8000004B  }
0xb3: {  	_ =	swait.ge [sflag:s29], $0x1  }
0xb4: {  	[sflag:s29] =	ssyncadd.s32 $0xFFFFFFFF  }
0xb5: {  	_ =	strace $0x9000004B  }
0xb6: {  	_ =	sfence  }
0xb7: {  	s30 =	sld [smem:$0x0];
	_ =	sdelay $0x2  }
0xb8: {  	s31 =	sshll.u32 s1, $0xD;
	s1 =	sshrl.u32 s1, $0x2  }
0xb9: {  	s3 =	sand.u32 $0x4000, s31;
	s1 =	sadd.s32 s1, s30  }
0xba: {  	s0 =	sor.u32 s3, s0;
	s1 =	sshll.u32 s1, $0x11  }
0xbb: {  	s0 =	sor.u32 s1, s0  }
0xbc: {  	s0 =	sadd.s32 $0x8F2B, s0  }
0xbd: {  	[sflag:s0] =	ssyncadd.remote.s32 $0x1  }
0xbe: {  	_ =	sfence.sel $0xFFFF  }
0xbf: {  	[dreg:$0x0] =	wrdreg $0xFFFFFFFF;
	(pc) =	sbr.abs _section_cstart, $3  }
0xc0: {  	[dreg:$0x1] =	wrdreg $0xFFFFFFFF  }
0xc1: {  	_ =	task.clear_ibuf [dreg:s6], $0x2FFFF;
	_ =	strace $0x9FFFFFFF  }
0xc2: {  	(tm) =	ssettm $0x7FFFFFFF  }
0xc3: {  	_ =	shalt  }
tec
execute0_lowered:
.L_overlay_start_1:
0x0: {  	(tag) =	ssettag $0x1  }
0x1: {  	s7 =	rddreg [dreg:$0x0]  }
0x2: {  	s0 =	srdreg.scid;
	s2 =	rddreg [dreg:$0x1]  }
0x3: {  	s3 =	simm.s32 $0x0;
	s14 =	simm.s32 $0x1D400;
	s15 =	simm.s32 $0x80  }
0x4: {  	s16 =	simm.s32 $0x14000;
	s17 =	simm.s32 $0x1C080;
	s18 =	simm.s32 $0x18000  }
0x5: {  	s19 =	simm.s32 $0x1;
	s20 =	simm.s32 $0x2;
	s21 =	simm.s32 $0x1E700  }
0x6: {  	s22 =	simm.s32 $0x1E780;
	s6 =	sand.u32 $0x1, s0;
	s0 =	stileid.u32  }
0x7: {  	s23 =	simm.s32 $0x0;
	[smem:$0x7FF] =	sst s3;
	s8 =	smul.u32 $0x140000, s6  }
0x8: {  	s4 =	sadd.s32 $0x5EE00, s7;
	s1 =	sshll.u32 s6, $0x4;
	s9 =	smul.u32 $0x14000, s0  }
0x9: {  	s28 =	smul.u32 $0x50000, s0;
	s6 =	ssub.s32 $0x2, s6;
	s1 =	sor.u32 s0, s1  }
0xa: {  	s31 =	sshll.u32 s0, $0x6;
	s29 =	sshrl.u32 s6, $0x1;
	s5 =	smul.u32 $0x280, s1  }
0xb: {  	s1 =	rddreg [dreg:$0x2];
	_ =	strace $0x8000004A;
	s8 =	sadd.s32 s9, s8  }
0xc: {  	s30 =	sshrl.u32 s28, $0x2;
	s12 =	ssub.s32 s6, s29;
	s6 =	sor.u32 $0x1C03, s31  }
0xd: {  	s8 =	sshrl.u32 s8, $0x3;
	s13 =	sadd.s32 s30, s2;
	s10 =	sadd.s32 s5, s7  }
0xe: {  	s5 =	sadd.s32 $0x6E00, s7;
	s11 =	sadd.s32 s8, s7;
	s7 =	sadd.s32 $0x59E00, s10  }
0xf: {  	s8 =	sadd.s32 $0x1E00, s10;
	s9 =	sadd.s32 $0x86E00, s11;
	s10 =	smax.u32 s12, $0x1  }
0x10: {  	s11 =	sshrl.u32 s13, $0x3;
	s12 =	simm.s32 $0x3;
	s13 =	simm.s32 $0x1C000  }
.LBB2_1:
0x11: {  	[spmem:s11], [sflag:s6] =	dma.local [hbm:s5], $0x2800  }
0x12: {  	_ =	swait.ge [sflag:s12], $0x2800  }
0x13: {  	[sflag:s12] =	ssyncset.done $0x0  }
0x14: {  	[sflag:s12] =	ssyncadd.s32 $0xFFFFD800  }
0x15: {  	[tilespmem:s13], [sflag:$0x3] =	stream.linear.gather [hbm4b:s7+s3], $0x1400, $0x38;
	[tilespmem:$0x1E800] =	vst v63  }
0x16: {  	_ =	swait.ge [sflag:s12], $0x1400  }
0x17: {  	[sflag:s12] =	ssyncset.done $0x0  }
0x18: {  	[sflag:s12] =	ssyncadd.s32 $0xFFFFEC00  }
0x19: {  	[tilespmem:s14], [sflag:$0x3] =	stream.linear.gather [hbm4b:s8+s3], $0x1400, $0x38;
	[tilespmem:$0x1E800] =	vst v63  }
0x1a: {  	_ =	swait.ge [sflag:s12], $0x1400  }
0x1b: {  	[sflag:s12] =	ssyncset.done $0x0  }
0x1c: {  	[sflag:s12] =	ssyncadd.s32 $0xFFFFEC00  }
0x1d: {  	[bflag:$0x0] =	sbarrier.arrive $0xFFFF  }
0x1e: {  	[tilespmem:s16], [sflag:$0x1] =	stream.indirect.gather [hbm4b:s4+s15], $0x80, s13, s15, $0xb8;
	[tilespmem:$0x1E800] =	vst v63  }
0x1f: {  	_ = 	snop  }
0x20: {  	[tilespmem:s18], [sflag:$0x2] =	stream.indirect.gather [hbm4b:s4+s15], $0x80, s17, s15, $0xb8;
	[tilespmem:$0x1E800] =	vst v63  }
0x21: {  	_ =	swait.ge [sflag:s19], $0x4000  }
0x22: {  	[sflag:s19] =	ssyncset.done $0x0  }
0x23: {  	s24 =	simm.s32 $0x1D400;
	[sflag:s19] =	ssyncadd.s32 $0xFFFFC000  }
0x24: {  	[spmem:s2] =	stream.indirect.scatter.add.f32 [tilespmem:s16], [sflag:$0x3], $0x80, s24, s15, $0xb8;
	[tilespmem:$0x1E800] =	vst v63  }
0x25: {  	_ =	swait.ge [sflag:s12], $0x4000  }
0x26: {  	[sflag:s12] =	ssyncset.done $0x0  }
0x27: {  	s30 =	simm.s32 $0x1C100;
	[sflag:s12] =	ssyncadd.s32 $0xFFFFC000  }
0x28: {  	[tilespmem:s16], [sflag:$0x1] =	stream.indirect.gather [hbm4b:s4+s15], $0x80, s30, s15, $0xb8;
	[tilespmem:$0x1E800] =	vst v63  }
0x29: {  	_ =	swait.ge [sflag:s20], $0x4000  }
0x2a: {  	[sflag:s20] =	ssyncset.done $0x0  }
0x2b: {  	s31 =	simm.s32 $0x1D480;
	[sflag:s20] =	ssyncadd.s32 $0xFFFFC000  }
0x2c: {  	[spmem:s2] =	stream.indirect.scatter.add.f32 [tilespmem:s18], [sflag:$0x3], $0x80, s31, s15, $0xb8;
	[tilespmem:$0x1E800] =	vst v63  }
0x2d: {  	_ =	swait.ge [sflag:s12], $0x4000  }
0x2e: {  	[sflag:s12] =	ssyncset.done $0x0  }
0x2f: {  	s25 =	simm.s32 $0x1C180;
	s24 =	simm.s32 $0x400;
	[sflag:s12] =	ssyncadd.s32 $0xFFFFC000  }
.LBB2_2:
0x30: {  	[tilespmem:s18], [sflag:$0x2] =	stream.indirect.gather [hbm4b:s4+s15], $0x80, s25, s15, $0xb8;
	[tilespmem:$0x1E800] =	vst v63  }
0x31: {  	s25 =	smov.u32 s24  }
0x32: {  	p0 =	sne.s32 s24, $0x4800;
	s24 =	sadd.s32 $0x400, s24;
	_ =	swait.ge [sflag:s19], $0x4000  }
0x33: {  	s25 =	sshra.s32 s25, $0x2;
	[sflag:s19] =	ssyncset.done $0x0  }
0x34: {  	s26 =	sadd.s32 $0x1D400, s25;
	[sflag:s19] =	ssyncadd.s32 $0xFFFFC000  }
0x35: {  	[spmem:s2] =	stream.indirect.scatter.add.f32 [tilespmem:s16], [sflag:$0x3], $0x80, s26, s15, $0xb8;
	[tilespmem:$0x1E800] =	vst v63  }
0x36: {  	_ =	swait.ge [sflag:s12], $0x4000  }
0x37: {  	[sflag:s12] =	ssyncset.done $0x0  }
0x38: {  	s26 =	sadd.s32 $0x1C100, s25;
	[sflag:s12] =	ssyncadd.s32 $0xFFFFC000  }
0x39: {  	[tilespmem:s16], [sflag:$0x1] =	stream.indirect.gather [hbm4b:s4+s15], $0x80, s26, s15, $0xb8;
	[tilespmem:$0x1E800] =	vst v63  }
0x3a: {  	_ =	swait.ge [sflag:s20], $0x4000  }
0x3b: {  	[sflag:s20] =	ssyncset.done $0x0  }
.Ltmp0:
0x3c: {  	s26 =	sadd.s32 $0x1D480, s25;
	[sflag:s20] =	ssyncadd.s32 $0xFFFFC000;
	(pc) =	sbr.rel @p0 .LBB2_2-.Ltmp0, $4  }
0x3d: {  	[spmem:s2] =	stream.indirect.scatter.add.f32 [tilespmem:s18], [sflag:$0x3], $0x80, s26, s15, $0xb8;
	[tilespmem:$0x1E800] =	vst v63  }
0x3e: {  	_ =	swait.ge [sflag:s12], $0x4000  }
0x3f: {  	[sflag:s12] =	ssyncset.done $0x0  }
0x40: {  	s25 =	sadd.s32 $0x1C180, s25;
	[sflag:s12] =	ssyncadd.s32 $0xFFFFC000  }
0x41: {  	[tilespmem:s18], [sflag:$0x2] =	stream.indirect.gather [hbm4b:s4+s15], $0x80, s25, s15, $0xb8;
	[tilespmem:$0x1E800] =	vst v63  }
0x42: {  	_ =	swait.ge [sflag:s19], $0x4000  }
0x43: {  	[sflag:s19] =	ssyncset.done $0x0  }
0x44: {  	[sflag:s19] =	ssyncadd.s32 $0xFFFFC000  }
0x45: {  	[spmem:s2] =	stream.indirect.scatter.add.f32 [tilespmem:s16], [sflag:$0x3], $0x80, s21, s15, $0xb8;
	[tilespmem:$0x1E800] =	vst v63  }
0x46: {  	_ =	swait.ge [sflag:s12], $0x4000  }
0x47: {  	[sflag:s12] =	ssyncset.done $0x0  }
0x48: {  	[sflag:s12] =	ssyncadd.s32 $0xFFFFC000  }
0x49: {  	_ =	swait.ge [sflag:s20], $0x4000  }
0x4a: {  	[sflag:s20] =	ssyncset.done $0x0  }
0x4b: {  	[sflag:s20] =	ssyncadd.s32 $0xFFFFC000  }
0x4c: {  	[spmem:s2] =	stream.indirect.scatter.add.f32 [tilespmem:s18], [sflag:$0x3], $0x80, s22, s15, $0xb8;
	[tilespmem:$0x1E800] =	vst v63  }
0x4d: {  	_ =	swait.ge [sflag:s12], $0x4000  }
0x4e: {  	s23 =	sadd.s32 $0x1, s23;
	[sflag:s12] =	ssyncset.done $0x0  }
0x4f: {  	p0 =	sne.s32 s23, s10;
	[sflag:s12] =	ssyncadd.s32 $0xFFFFC000  }
.Ltmp1:
0x50: {  	[bflag:$0x0] =	sbarrier.arrive $0xFFFF;
	(pc) =	sbr.rel @p0 .LBB2_1-.Ltmp1, $4  }
0x51: {  	[hbm:s9], [sflag:s6] =	dma.local [spmem:s11], $0x2800  }
0x52: {  	_ =	swait.ge [sflag:s12], $0x2800  }
0x53: {  	[sflag:s12] =	ssyncset.done $0x0  }
0x54: {  	[sflag:s12] =	ssyncadd.s32 $0xFFFFD800  }
0x55: {  	_ =	sfence.sel $0x180000  }
0x56: {  	[bflag:$0x0] =	sbarrier.arrive $0xFFFF  }
0x57: {  	p0 =	sne.s32 s0, $0x0;
	_ =	strace $0x9000004A  }
0x58: {  	s0 =	sadd.s32 @!p0 $0x100000, s1;
	[bflag:$0x2] =	sbarrier.arrive $0xFFFF  }
0x59: {  	[sflag:s0] =	ssyncadd.tile.s32 @!p0 $0x1;
	_ =	shalt  }
.Lfunc_end2:
_tile_overlayer_lowered:
.L_overlay_start_2:
0x5a: {  	(tag) =	ssettag $0x2  }
0x5b: {  	s0 =	rddreg [dreg:$0x0];
	s2 =	stileid.u32  }
0x5c: {  	s1 =	rddreg [dreg:$0x1];
	p0 =	sne.s32 s2, $0x0  }
0x5d: {  	s3 =	rddreg [dreg:$0x2];
	[bflag:$0x3] =	sbarrier.arrive $0xFFFF;
	s2 =	simm.s32 @!p0 $0x1C03  }
0x5e: {  	[timem:s3], [sflag:s2] =	dma.local @!p0 [hbm:s0], s1  }
0x5f: {  	s0 =	simm.s32 @!p0 $0x3  }
0x60: {  	_ =	swait.ge @!p0 [sflag:s0], s1  }
0x61: {  	s1 =	ssub.s32 @!p0 $0x0, s1;
	[sflag:s0] =	ssyncset.done @!p0 $0x0  }
0x62: {  	[sflag:s0] =	ssyncadd.s32 @!p0 s1  }
0x63: {  	[bflag:$0x3] =	sbarrier.arrive $0xFFFF  }
0x64: {  	_ =	shalt  }

// kernel: kernel.14.cloned.1.call-start
scs
__scs_entry_jumppad:
0x0: {  	(pc) =	sbr.rel $0x88, $3  }
0x1: {  	(tag) =	ssettag $0x0;
	lr =	simm.s32 $0x1  }
0x2: {  	[smem:$0x3F98] =	sst lr;
	_ =	strace $0xD0000000  }
0x3: {  	_ = 	snop  }
0x4: {  	_ = 	snop  }
0x5: {  	_ = 	snop  }
0x6: {  	_ = 	snop  }
0x7: {  	_ = 	snop  }
__scs_overlays_trampoline_lowered:
0x8: {  	[smem:$0x3FA7] =	sst s0  }
0x9: {  	[smem:$0x3FA8] =	sst s1  }
0xa: {  	[smem:$0x3FA9] =	sst s2  }
0xb: {  	[smem:$0x3FAA] =	sst s3  }
0xc: {  	[smem:$0x3FAB] =	sst s4  }
0xd: {  	[smem:$0x3FAC] =	sst s5  }
0xe: {  	[smem:$0x3FAD] =	sst s6  }
0xf: {  	[smem:$0x3FAE] =	sst s7  }
0x10: {  	[smem:$0x3FAF] =	sst s8  }
0x11: {  	[smem:$0x3FB0] =	sst s9;
	s0 =	simm.s32 @!p0 $0x0  }
0x12: {  	s1 =	sld [smem:$0x3F96];
	s0 =	simm.s32 @p0 $0x1  }
0x13: {  	[smem:$0x3FB1] =	sst s0;
	s0 =	simm.s32 @!p1 $0x0  }
0x14: {  	s2 =	sld [smem:$0x3F95];
	s0 =	simm.s32 @p1 $0x1  }
0x15: {  	[smem:$0x3FB2] =	sst s0;
	s0 =	simm.s32 @!p2 $0x0  }
0x16: {  	s3 =	sld [smem:$0x3FDB];
	s0 =	simm.s32 @p2 $0x1  }
0x17: {  	s4 =	simm.s32 $0x1BF5;
	[smem:$0x3FB4] =	sst s0  }
0x18: {  	s0 =	sld [smem:$0x3F97];
	_ =	swait.ge [sflag:s4], $0x0  }
0x19: {  	s7 =	sld [smem:$0x3F98]  }
0x1a: {  	s8 =	sadd.s32 $0xFFFFE003, lr  }
0x1b: {  	s9 =	sadd.s32 $0xFFFFFEF7, lr;
	s5 =	simm.s32 $0xFFFFFFFF;
	p2 =	slt.u32 s8, $0xFFFFF086  }
0x1c: {  	p1 =	slt.u32 s9, $0xF7A;
	s5 =	simm.s32 @!p2 $0x0  }
0x1d: {  	s5 =	simm.s32 @p1 $0x1;
	p0 =	seq.s32 s7, s2  }
0x1e: {  	s7 =	smul.u32 @!p0 $0xF7A, s2;
	p2 =	seq.s32 @!p0 s5, $0x0  }
0x1f: {  	s9 =	smul.u32 $0xF7A, s1;
	s8 =	simm.s32 @!p0 $0x1BF5;
	p2 =	por !p2, p0  }
0x20: {  	[sflag:s8] =	ssyncset.s32 @!p0 $0xFFFFF086;
	s6 =	sadd.s32 @!p0 s3, s7;
	s7 =	simm.s32 @!p0 $0x108  }
0x21: {  	s3 =	sadd.s32 s3, s9;
	s6 =	sadd.s32 @!p0 $0x88, s6;
	s7 =	simm.s32 @p2 $0x1082  }
0x22: {  	[simem:s7], [sflag:s8] =	dma.local @!p0 [hbm:s6], $0xF7A  }
0x23: {  	s9 =	sor.u32 $0xD0000000, s2;
	s6 =	simm.s32 $0x108;
	_ =	swait.ge @!p0 [sflag:s8], $0x0  }
0x24: {  	s3 =	sadd.s32 $0x88, s3;
	s6 =	simm.s32 @!p1 $0x1082;
	[sflag:s4] =	ssyncset.s32 $0xFFFFF086  }
0x25: {  	[simem:s6], [sflag:s4] =	dma.local [hbm:s3], $0xF7A  }
0x26: {  	[smem:$0x3F98] =	sst s1;
	(tag) =	ssettag s2;
	_ =	strace s9  }
0x27: {  	s1 =	sld [smem:$0x3FA8]  }
0x28: {  	s2 =	sld [smem:$0x3FA9]  }
0x29: {  	s4 =	sld [smem:$0x3FAB]  }
0x2a: {  	p0 =	seq.s32 s5, $0x0;
	s5 =	sld [smem:$0x3FAC]  }
0x2b: {  	s6 =	sld [smem:$0x3FAD]  }
0x2c: {  	s7 =	sld [smem:$0x3FAE]  }
0x2d: {  	s3 =	simm.s32 $0x108;
	s8 =	sld [smem:$0x3FAF]  }
0x2e: {  	s3 =	simm.s32 @!p0 $0x1082;
	s9 =	sld [smem:$0x3FB0]  }
0x2f: {  	lr =	sadd.s32 s0, s3;
	s0 =	sld [smem:$0x3FA7]  }
0x30: {  	s3 =	sld [smem:$0x3FAA]  }
0x31: {  	[smem:$0x3FB3] =	sst s10  }
0x32: {  	s10 =	sld [smem:$0x3FB1];
	_ =	sdelay $0x3  }
0x33: {  	p0 =	seq.s32 s10, $0x1;
	s10 =	sld [smem:$0x3FB3];
	_ =	sdelay $0x3  }
0x34: {  	[smem:$0x3FB3] =	sst s10  }
0x35: {  	s10 =	sld [smem:$0x3FB2];
	_ =	sdelay $0x3  }
0x36: {  	p1 =	seq.s32 s10, $0x1;
	s10 =	sld [smem:$0x3FB3];
	_ =	sdelay $0x3  }
0x37: {  	[smem:$0x3FB3] =	sst s10  }
0x38: {  	s10 =	sld [smem:$0x3FB4]  }
0x39: {  	_ = 	snop;
	(pc) =	sbr.ind lr, $3  }
0x3a: {  	_ = 	snop  }
0x3b: {  	_ = 	snop  }
0x3c: {  	p2 =	seq.s32 s10, $0x1;
	s10 =	sld [smem:$0x3FB3]  }
0x3d: {  	_ =	shalt  }
0x3e: {  	_ =	shalt  }
0x3f: {  	_ =	shalt  }
0x40: {  	_ =	shalt  }
0x41: {  	_ =	shalt  }
0x42: {  	_ =	shalt  }
0x43: {  	_ =	shalt  }
0x44: {  	_ =	shalt  }
0x45: {  	_ =	shalt  }
0x46: {  	_ =	shalt  }
0x47: {  	_ =	shalt  }
0x48: {  	_ =	shalt  }
0x49: {  	_ =	shalt  }
0x4a: {  	_ =	shalt  }
0x4b: {  	_ =	shalt  }
0x4c: {  	_ =	shalt  }
0x4d: {  	_ =	shalt  }
0x4e: {  	_ =	shalt  }
0x4f: {  	_ =	shalt  }
0x50: {  	_ =	shalt  }
0x51: {  	_ =	shalt  }
0x52: {  	_ =	shalt  }
0x53: {  	_ =	shalt  }
0x54: {  	_ =	shalt  }
0x55: {  	_ =	shalt  }
0x56: {  	_ =	shalt  }
0x57: {  	_ =	shalt  }
0x58: {  	_ =	shalt  }
0x59: {  	_ =	shalt  }
0x5a: {  	_ =	shalt  }
0x5b: {  	_ =	shalt  }
0x5c: {  	_ =	shalt  }
0x5d: {  	_ =	shalt  }
0x5e: {  	_ =	shalt  }
0x5f: {  	_ =	shalt  }
0x60: {  	_ =	shalt  }
0x61: {  	_ =	shalt  }
0x62: {  	_ =	shalt  }
0x63: {  	_ =	shalt  }
0x64: {  	_ =	shalt  }
0x65: {  	_ =	shalt  }
0x66: {  	_ =	shalt  }
0x67: {  	_ =	shalt  }
0x68: {  	_ =	shalt  }
0x69: {  	_ =	shalt  }
0x6a: {  	_ =	shalt  }
0x6b: {  	_ =	shalt  }
0x6c: {  	_ =	shalt  }
0x6d: {  	_ =	shalt  }
0x6e: {  	_ =	shalt  }
0x6f: {  	_ =	shalt  }
0x70: {  	_ =	shalt  }
0x71: {  	_ =	shalt  }
0x72: {  	_ =	shalt  }
0x73: {  	_ =	shalt  }
0x74: {  	_ =	shalt  }
0x75: {  	_ =	shalt  }
0x76: {  	_ =	shalt  }
0x77: {  	_ =	shalt  }
0x78: {  	_ =	shalt  }
0x79: {  	_ =	shalt  }
0x7a: {  	_ =	shalt  }
0x7b: {  	_ =	shalt  }
0x7c: {  	_ =	shalt  }
0x7d: {  	_ =	shalt  }
0x7e: {  	_ =	shalt  }
0x7f: {  	_ =	shalt  }
0x80: {  	_ =	shalt  }
0x81: {  	_ =	shalt  }
0x82: {  	_ =	shalt  }
0x83: {  	_ =	shalt  }
0x84: {  	_ =	shalt  }
0x85: {  	_ =	shalt  }
0x86: {  	_ =	shalt  }
0x87: {  	_ =	shalt  }
.Lfunc_end0:
.L_simem_size_0:
called_computation.2_lowered:
.L_overlay_start_0:
0x88: {  	s2 =	sld [smem:$0x3FD9]  }
0x89: {  	s3 =	sld [smem:$0x3FFE];
	_ =	sdelay $0x1  }
0x8a: {  	s1 =	srdreg.scid  }
0x8b: {  	s0 =	sand.u32 $0x1, s1  }
0x8c: {  	s16 =	sshll.u32 s0, $0xA;
	s2 =	sadd.s32 s3, s2  }
0x8d: {  	s2 =	sadd.s32 s2, s16  }
0x8e: {  	[smem:$0x3FBF] =	sst s2  }
0x8f: {  	_ = 	snop  }
0x90: {  	(tm) =	ssettm $0x1  }
0x91: {  	s17 =	sld [smem:$0x3FFB];
	_ =	sdelay $0x3  }
0x92: {  	_ =	strace s17  }
0x93: {  	s2 =	sld [smem:$0x3FFC];
	_ =	sdelay $0x3  }
0x94: {  	_ =	strace s2  }
0x95: {  	s2 =	sld [smem:$0x3FFD];
	_ =	sdelay $0x3  }
0x96: {  	_ =	strace s2  }
0x97: {  	_ =	strace $0x8FFFFFFF  }
0x98: {  	s18 =	sld [smem:$0x3FDB];
	_ =	sdelay $0x1  }
0x99: {  	s19 =	simm.s32 $_scs_section_size  }
0x9a: {  	s4 =	simm.s32 $_size__tile_overlayer_lowered;
	s5 =	simm.s32 $_tile_overlayer_lowered  }
0x9b: {  	s22 =	simm.s32 $0x1BFF;
	s21 =	sshll.u32 s5, $0x1;
	s2 =	sadd.s32 s19, s18  }
0x9c: {  	s6 =	simm.s32 $0x0;
	s20 =	sshll.u32 s4, $0x1;
	s4 =	sadd.s32 s21, s2  }
0x9d: {  	[timem:s6], [sflag:s22] =	dma.local [hbm:s4], s20  }
0x9e: {  	_ =	swait.ge [sflag:s22], s20  }
0x9f: {  	s3 =	ssub.s32 $0x0, s20;
	[sflag:s22] =	ssyncset.done $0x0  }
0xa0: {  	[sflag:s22] =	ssyncadd.s32 s3;
	_ =	sdelay $0x1  }
0xa1: {  	s23 =	simm.s32 $0x1B8B  }
0xa2: {  	_ =	swait.ge [sflag:s23], $0x1  }
0xa3: {  	[sflag:s23] =	ssyncset.done $0x0  }
0xa4: {  	s25 =	simm.s32 $0x1B8E;
	s24 =	sld [smem:$0x3FFE];
	[sflag:s23] =	ssyncadd.s32 $0xFFFFFFFF  }
0xa5: {  	s26 =	simm.s32 $execute0_lowered;
	[smem:$0x3FD2] =	sst s25  }
0xa6: {  	s4 =	sshll.u32 s26, $0x1;
	_ =	strace $0x8000004C;
	[dreg:$0x1] =	wrdreg $0xFFFFFFFF  }
0xa7: {  	s28 =	simm.s32 $_size_execute0_lowered;
	s2 =	sadd.s32 s2, s4;
	[dreg:$0x0] =	wrdreg $0x0  }
0xa8: {  	s4 =	sshll.u32 s28, $0x1;
	[dreg:$0x2] =	wrdreg s2  }
0xa9: {  	[dreg:$0x3] =	wrdreg s4  }
0xaa: {  	[dreg:$0x4] =	wrdreg $0xC0  }
0xab: {  	_ =	task [dreg:s6], $0x5FFFF  }
0xac: {  	[dreg:$0x1] =	wrdreg $0xFFFFFFFF  }
0xad: {  	[dreg:$0x0] =	wrdreg $0x60  }
0xae: {  	[dreg:$0x2] =	wrdreg s24  }
0xaf: {  	[dreg:$0x3] =	wrdreg $0x0  }
0xb0: {  	[dreg:$0x4] =	wrdreg $0x9  }
0xb1: {  	_ =	task.clear_ibuf [dreg:s6], $0x5FFFF;
	_ =	strace $0x9000004C  }
0xb2: {  	s29 =	simm.s32 $0x9;
	_ =	strace $0x8000004E  }
0xb3: {  	_ =	swait.ge [sflag:s29], $0x1  }
0xb4: {  	[sflag:s29] =	ssyncadd.s32 $0xFFFFFFFF  }
0xb5: {  	_ =	strace $0x9000004E  }
0xb6: {  	_ =	sfence  }
0xb7: {  	s30 =	sld [smem:$0x0];
	_ =	sdelay $0x2  }
0xb8: {  	s31 =	sshll.u32 s1, $0xD;
	s1 =	sshrl.u32 s1, $0x2  }
0xb9: {  	s3 =	sand.u32 $0x4000, s31;
	s1 =	sadd.s32 s1, s30  }
0xba: {  	s0 =	sor.u32 s3, s0;
	s1 =	sshll.u32 s1, $0x11  }
0xbb: {  	s0 =	sor.u32 s1, s0  }
0xbc: {  	s0 =	sadd.s32 $0x8F2B, s0  }
0xbd: {  	[sflag:s0] =	ssyncadd.remote.s32 $0x1  }
0xbe: {  	_ =	sfence.sel $0xFFFF  }
0xbf: {  	[dreg:$0x0] =	wrdreg $0xFFFFFFFF;
	(pc) =	sbr.abs _section_cstart, $3  }
0xc0: {  	[dreg:$0x1] =	wrdreg $0xFFFFFFFF  }
0xc1: {  	_ =	task.clear_ibuf [dreg:s6], $0x2FFFF;
	_ =	strace $0x9FFFFFFF  }
0xc2: {  	(tm) =	ssettm $0x7FFFFFFF  }
0xc3: {  	_ =	shalt  }
tec
execute0_lowered:
.L_overlay_start_1:
0x0: {  	(tag) =	ssettag $0x1  }
0x1: {  	s7 =	rddreg [dreg:$0x0]  }
0x2: {  	s0 =	srdreg.scid;
	s2 =	rddreg [dreg:$0x1]  }
0x3: {  	s3 =	simm.s32 $0x0;
	s14 =	simm.s32 $0x1D400;
	s15 =	simm.s32 $0x80  }
0x4: {  	s16 =	simm.s32 $0x14000;
	s17 =	simm.s32 $0x1C080;
	s18 =	simm.s32 $0x18000  }
0x5: {  	s19 =	simm.s32 $0x1;
	s20 =	simm.s32 $0x2;
	s21 =	simm.s32 $0x1E700  }
0x6: {  	s22 =	simm.s32 $0x1E780;
	s6 =	sand.u32 $0x1, s0;
	s0 =	stileid.u32  }
0x7: {  	s23 =	simm.s32 $0x0;
	[smem:$0x7FF] =	sst s3;
	s8 =	smul.u32 $0x140000, s6  }
0x8: {  	s4 =	sadd.s32 $0x5EE00, s7;
	s1 =	sshll.u32 s6, $0x4;
	s9 =	smul.u32 $0x14000, s0  }
0x9: {  	s28 =	smul.u32 $0x50000, s0;
	s6 =	ssub.s32 $0x2, s6;
	s1 =	sor.u32 s0, s1  }
0xa: {  	s31 =	sshll.u32 s0, $0x6;
	s29 =	sshrl.u32 s6, $0x1;
	s5 =	smul.u32 $0x280, s1  }
0xb: {  	s1 =	rddreg [dreg:$0x2];
	_ =	strace $0x8000004D;
	s8 =	sadd.s32 s9, s8  }
0xc: {  	s30 =	sshrl.u32 s28, $0x2;
	s12 =	ssub.s32 s6, s29;
	s6 =	sor.u32 $0x1C03, s31  }
0xd: {  	s8 =	sshrl.u32 s8, $0x3;
	s13 =	sadd.s32 s30, s2;
	s10 =	sadd.s32 s5, s7  }
0xe: {  	s5 =	sadd.s32 $0x6E00, s7;
	s11 =	sadd.s32 s8, s7;
	s7 =	sadd.s32 $0x59E00, s10  }
0xf: {  	s8 =	sadd.s32 $0x1E00, s10;
	s9 =	sadd.s32 $0x86E00, s11;
	s10 =	smax.u32 s12, $0x1  }
0x10: {  	s11 =	sshrl.u32 s13, $0x3;
	s12 =	simm.s32 $0x3;
	s13 =	simm.s32 $0x1C000  }
.LBB2_1:
0x11: {  	[spmem:s11], [sflag:s6] =	dma.local [hbm:s5], $0x2800  }
0x12: {  	_ =	swait.ge [sflag:s12], $0x2800  }
0x13: {  	[sflag:s12] =	ssyncset.done $0x0  }
0x14: {  	[sflag:s12] =	ssyncadd.s32 $0xFFFFD800  }
0x15: {  	[tilespmem:s13], [sflag:$0x3] =	stream.linear.gather [hbm4b:s7+s3], $0x1400, $0x38;
	[tilespmem:$0x1E800] =	vst v63  }
0x16: {  	_ =	swait.ge [sflag:s12], $0x1400  }
0x17: {  	[sflag:s12] =	ssyncset.done $0x0  }
0x18: {  	[sflag:s12] =	ssyncadd.s32 $0xFFFFEC00  }
0x19: {  	[tilespmem:s14], [sflag:$0x3] =	stream.linear.gather [hbm4b:s8+s3], $0x1400, $0x38;
	[tilespmem:$0x1E800] =	vst v63  }
0x1a: {  	_ =	swait.ge [sflag:s12], $0x1400  }
0x1b: {  	[sflag:s12] =	ssyncset.done $0x0  }
0x1c: {  	[sflag:s12] =	ssyncadd.s32 $0xFFFFEC00  }
0x1d: {  	[bflag:$0x0] =	sbarrier.arrive $0xFFFF  }
0x1e: {  	[tilespmem:s16], [sflag:$0x1] =	stream.indirect.gather [hbm4b:s4+s15], $0x80, s13, s15, $0xb8;
	[tilespmem:$0x1E800] =	vst v63  }
0x1f: {  	_ = 	snop  }
0x20: {  	[tilespmem:s18], [sflag:$0x2] =	stream.indirect.gather [hbm4b:s4+s15], $0x80, s17, s15, $0xb8;
	[tilespmem:$0x1E800] =	vst v63  }
0x21: {  	_ =	swait.ge [sflag:s19], $0x4000  }
0x22: {  	[sflag:s19] =	ssyncset.done $0x0  }
0x23: {  	s24 =	simm.s32 $0x1D400;
	[sflag:s19] =	ssyncadd.s32 $0xFFFFC000  }
0x24: {  	[spmem:s2] =	stream.indirect.scatter.add.f32 [tilespmem:s16], [sflag:$0x3], $0x80, s24, s15, $0xb8;
	[tilespmem:$0x1E800] =	vst v63  }
0x25: {  	_ =	swait.ge [sflag:s12], $0x4000  }
0x26: {  	[sflag:s12] =	ssyncset.done $0x0  }
0x27: {  	s30 =	simm.s32 $0x1C100;
	[sflag:s12] =	ssyncadd.s32 $0xFFFFC000  }
0x28: {  	[tilespmem:s16], [sflag:$0x1] =	stream.indirect.gather [hbm4b:s4+s15], $0x80, s30, s15, $0xb8;
	[tilespmem:$0x1E800] =	vst v63  }
0x29: {  	_ =	swait.ge [sflag:s20], $0x4000  }
0x2a: {  	[sflag:s20] =	ssyncset.done $0x0  }
0x2b: {  	s31 =	simm.s32 $0x1D480;
	[sflag:s20] =	ssyncadd.s32 $0xFFFFC000  }
0x2c: {  	[spmem:s2] =	stream.indirect.scatter.add.f32 [tilespmem:s18], [sflag:$0x3], $0x80, s31, s15, $0xb8;
	[tilespmem:$0x1E800] =	vst v63  }
0x2d: {  	_ =	swait.ge [sflag:s12], $0x4000  }
0x2e: {  	[sflag:s12] =	ssyncset.done $0x0  }
0x2f: {  	s25 =	simm.s32 $0x1C180;
	s24 =	simm.s32 $0x400;
	[sflag:s12] =	ssyncadd.s32 $0xFFFFC000  }
.LBB2_2:
0x30: {  	[tilespmem:s18], [sflag:$0x2] =	stream.indirect.gather [hbm4b:s4+s15], $0x80, s25, s15, $0xb8;
	[tilespmem:$0x1E800] =	vst v63  }
0x31: {  	s25 =	smov.u32 s24  }
0x32: {  	p0 =	sne.s32 s24, $0x4800;
	s24 =	sadd.s32 $0x400, s24;
	_ =	swait.ge [sflag:s19], $0x4000  }
0x33: {  	s25 =	sshra.s32 s25, $0x2;
	[sflag:s19] =	ssyncset.done $0x0  }
0x34: {  	s26 =	sadd.s32 $0x1D400, s25;
	[sflag:s19] =	ssyncadd.s32 $0xFFFFC000  }
0x35: {  	[spmem:s2] =	stream.indirect.scatter.add.f32 [tilespmem:s16], [sflag:$0x3], $0x80, s26, s15, $0xb8;
	[tilespmem:$0x1E800] =	vst v63  }
0x36: {  	_ =	swait.ge [sflag:s12], $0x4000  }
0x37: {  	[sflag:s12] =	ssyncset.done $0x0  }
0x38: {  	s26 =	sadd.s32 $0x1C100, s25;
	[sflag:s12] =	ssyncadd.s32 $0xFFFFC000  }
0x39: {  	[tilespmem:s16], [sflag:$0x1] =	stream.indirect.gather [hbm4b:s4+s15], $0x80, s26, s15, $0xb8;
	[tilespmem:$0x1E800] =	vst v63  }
0x3a: {  	_ =	swait.ge [sflag:s20], $0x4000  }
0x3b: {  	[sflag:s20] =	ssyncset.done $0x0  }
.Ltmp0:
0x3c: {  	s26 =	sadd.s32 $0x1D480, s25;
	[sflag:s20] =	ssyncadd.s32 $0xFFFFC000;
	(pc) =	sbr.rel @p0 .LBB2_2-.Ltmp0, $4  }
0x3d: {  	[spmem:s2] =	stream.indirect.scatter.add.f32 [tilespmem:s18], [sflag:$0x3], $0x80, s26, s15, $0xb8;
	[tilespmem:$0x1E800] =	vst v63  }
0x3e: {  	_ =	swait.ge [sflag:s12], $0x4000  }
0x3f: {  	[sflag:s12] =	ssyncset.done $0x0  }
0x40: {  	s25 =	sadd.s32 $0x1C180, s25;
	[sflag:s12] =	ssyncadd.s32 $0xFFFFC000  }
0x41: {  	[tilespmem:s18], [sflag:$0x2] =	stream.indirect.gather [hbm4b:s4+s15], $0x80, s25, s15, $0xb8;
	[tilespmem:$0x1E800] =	vst v63  }
0x42: {  	_ =	swait.ge [sflag:s19], $0x4000  }
0x43: {  	[sflag:s19] =	ssyncset.done $0x0  }
0x44: {  	[sflag:s19] =	ssyncadd.s32 $0xFFFFC000  }
0x45: {  	[spmem:s2] =	stream.indirect.scatter.add.f32 [tilespmem:s16], [sflag:$0x3], $0x80, s21, s15, $0xb8;
	[tilespmem:$0x1E800] =	vst v63  }
0x46: {  	_ =	swait.ge [sflag:s12], $0x4000  }
0x47: {  	[sflag:s12] =	ssyncset.done $0x0  }
0x48: {  	[sflag:s12] =	ssyncadd.s32 $0xFFFFC000  }
0x49: {  	_ =	swait.ge [sflag:s20], $0x4000  }
0x4a: {  	[sflag:s20] =	ssyncset.done $0x0  }
0x4b: {  	[sflag:s20] =	ssyncadd.s32 $0xFFFFC000  }
0x4c: {  	[spmem:s2] =	stream.indirect.scatter.add.f32 [tilespmem:s18], [sflag:$0x3], $0x80, s22, s15, $0xb8;
	[tilespmem:$0x1E800] =	vst v63  }
0x4d: {  	_ =	swait.ge [sflag:s12], $0x4000  }
0x4e: {  	s23 =	sadd.s32 $0x1, s23;
	[sflag:s12] =	ssyncset.done $0x0  }
0x4f: {  	p0 =	sne.s32 s23, s10;
	[sflag:s12] =	ssyncadd.s32 $0xFFFFC000  }
.Ltmp1:
0x50: {  	[bflag:$0x0] =	sbarrier.arrive $0xFFFF;
	(pc) =	sbr.rel @p0 .LBB2_1-.Ltmp1, $4  }
0x51: {  	[hbm:s9], [sflag:s6] =	dma.local [spmem:s11], $0x2800  }
0x52: {  	_ =	swait.ge [sflag:s12], $0x2800  }
0x53: {  	[sflag:s12] =	ssyncset.done $0x0  }
0x54: {  	[sflag:s12] =	ssyncadd.s32 $0xFFFFD800  }
0x55: {  	_ =	sfence.sel $0x180000  }
0x56: {  	[bflag:$0x0] =	sbarrier.arrive $0xFFFF  }
0x57: {  	p0 =	sne.s32 s0, $0x0;
	_ =	strace $0x9000004D  }
0x58: {  	s0 =	sadd.s32 @!p0 $0x100000, s1;
	[bflag:$0x2] =	sbarrier.arrive $0xFFFF  }
0x59: {  	[sflag:s0] =	ssyncadd.tile.s32 @!p0 $0x1;
	_ =	shalt  }
.Lfunc_end2:
_tile_overlayer_lowered:
.L_overlay_start_2:
0x5a: {  	(tag) =	ssettag $0x2  }
0x5b: {  	s0 =	rddreg [dreg:$0x0];
	s2 =	stileid.u32  }
0x5c: {  	s1 =	rddreg [dreg:$0x1];
	p0 =	sne.s32 s2, $0x0  }
0x5d: {  	s3 =	rddreg [dreg:$0x2];
	[bflag:$0x3] =	sbarrier.arrive $0xFFFF;
	s2 =	simm.s32 @!p0 $0x1C03  }
0x5e: {  	[timem:s3], [sflag:s2] =	dma.local @!p0 [hbm:s0], s1  }
0x5f: {  	s0 =	simm.s32 @!p0 $0x3  }
0x60: {  	_ =	swait.ge @!p0 [sflag:s0], s1  }
0x61: {  	s1 =	ssub.s32 @!p0 $0x0, s1;
	[sflag:s0] =	ssyncset.done @!p0 $0x0  }
0x62: {  	[sflag:s0] =	ssyncadd.s32 @!p0 s1  }
0x63: {  	[bflag:$0x3] =	sbarrier.arrive $0xFFFF  }
0x64: {  	_ =	shalt  }

// kernel: kernel.8.cloned.1.call-start
scs
__scs_entry_jumppad:
0x0: {  	(pc) =	sbr.rel $0x88, $3  }
0x1: {  	(tag) =	ssettag $0x0;
	lr =	simm.s32 $0x1  }
0x2: {  	[smem:$0x3F98] =	sst lr;
	_ =	strace $0xD0000000  }
0x3: {  	_ = 	snop  }
0x4: {  	_ = 	snop  }
0x5: {  	_ = 	snop  }
0x6: {  	_ = 	snop  }
0x7: {  	_ = 	snop  }
__scs_overlays_trampoline_lowered:
0x8: {  	[smem:$0x3FA7] =	sst s0  }
0x9: {  	[smem:$0x3FA8] =	sst s1  }
0xa: {  	[smem:$0x3FA9] =	sst s2  }
0xb: {  	[smem:$0x3FAA] =	sst s3  }
0xc: {  	[smem:$0x3FAB] =	sst s4  }
0xd: {  	[smem:$0x3FAC] =	sst s5  }
0xe: {  	[smem:$0x3FAD] =	sst s6  }
0xf: {  	[smem:$0x3FAE] =	sst s7  }
0x10: {  	[smem:$0x3FAF] =	sst s8  }
0x11: {  	[smem:$0x3FB0] =	sst s9;
	s0 =	simm.s32 @!p0 $0x0  }
0x12: {  	s1 =	sld [smem:$0x3F96];
	s0 =	simm.s32 @p0 $0x1  }
0x13: {  	[smem:$0x3FB1] =	sst s0;
	s0 =	simm.s32 @!p1 $0x0  }
0x14: {  	s2 =	sld [smem:$0x3F95];
	s0 =	simm.s32 @p1 $0x1  }
0x15: {  	[smem:$0x3FB2] =	sst s0;
	s0 =	simm.s32 @!p2 $0x0  }
0x16: {  	s3 =	sld [smem:$0x3FDB];
	s0 =	simm.s32 @p2 $0x1  }
0x17: {  	s4 =	simm.s32 $0x1BF5;
	[smem:$0x3FB4] =	sst s0  }
0x18: {  	s0 =	sld [smem:$0x3F97];
	_ =	swait.ge [sflag:s4], $0x0  }
0x19: {  	s7 =	sld [smem:$0x3F98]  }
0x1a: {  	s8 =	sadd.s32 $0xFFFFE003, lr  }
0x1b: {  	s9 =	sadd.s32 $0xFFFFFEF7, lr;
	s5 =	simm.s32 $0xFFFFFFFF;
	p2 =	slt.u32 s8, $0xFFFFF086  }
0x1c: {  	p1 =	slt.u32 s9, $0xF7A;
	s5 =	simm.s32 @!p2 $0x0  }
0x1d: {  	s5 =	simm.s32 @p1 $0x1;
	p0 =	seq.s32 s7, s2  }
0x1e: {  	s7 =	smul.u32 @!p0 $0xF7A, s2;
	p2 =	seq.s32 @!p0 s5, $0x0  }
0x1f: {  	s9 =	smul.u32 $0xF7A, s1;
	s8 =	simm.s32 @!p0 $0x1BF5;
	p2 =	por !p2, p0  }
0x20: {  	[sflag:s8] =	ssyncset.s32 @!p0 $0xFFFFF086;
	s6 =	sadd.s32 @!p0 s3, s7;
	s7 =	simm.s32 @!p0 $0x108  }
0x21: {  	s3 =	sadd.s32 s3, s9;
	s6 =	sadd.s32 @!p0 $0x88, s6;
	s7 =	simm.s32 @p2 $0x1082  }
0x22: {  	[simem:s7], [sflag:s8] =	dma.local @!p0 [hbm:s6], $0xF7A  }
0x23: {  	s9 =	sor.u32 $0xD0000000, s2;
	s6 =	simm.s32 $0x108;
	_ =	swait.ge @!p0 [sflag:s8], $0x0  }
0x24: {  	s3 =	sadd.s32 $0x88, s3;
	s6 =	simm.s32 @!p1 $0x1082;
	[sflag:s4] =	ssyncset.s32 $0xFFFFF086  }
0x25: {  	[simem:s6], [sflag:s4] =	dma.local [hbm:s3], $0xF7A  }
0x26: {  	[smem:$0x3F98] =	sst s1;
	(tag) =	ssettag s2;
	_ =	strace s9  }
0x27: {  	s1 =	sld [smem:$0x3FA8]  }
0x28: {  	s2 =	sld [smem:$0x3FA9]  }
0x29: {  	s4 =	sld [smem:$0x3FAB]  }
0x2a: {  	p0 =	seq.s32 s5, $0x0;
	s5 =	sld [smem:$0x3FAC]  }
0x2b: {  	s6 =	sld [smem:$0x3FAD]  }
0x2c: {  	s7 =	sld [smem:$0x3FAE]  }
0x2d: {  	s3 =	simm.s32 $0x108;
	s8 =	sld [smem:$0x3FAF]  }
0x2e: {  	s3 =	simm.s32 @!p0 $0x1082;
	s9 =	sld [smem:$0x3FB0]  }
0x2f: {  	lr =	sadd.s32 s0, s3;
	s0 =	sld [smem:$0x3FA7]  }
0x30: {  	s3 =	sld [smem:$0x3FAA]  }
0x31: {  	[smem:$0x3FB3] =	sst s10  }
0x32: {  	s10 =	sld [smem:$0x3FB1];
	_ =	sdelay $0x3  }
0x33: {  	p0 =	seq.s32 s10, $0x1;
	s10 =	sld [smem:$0x3FB3];
	_ =	sdelay $0x3  }
0x34: {  	[smem:$0x3FB3] =	sst s10  }
0x35: {  	s10 =	sld [smem:$0x3FB2];
	_ =	sdelay $0x3  }
0x36: {  	p1 =	seq.s32 s10, $0x1;
	s10 =	sld [smem:$0x3FB3];
	_ =	sdelay $0x3  }
0x37: {  	[smem:$0x3FB3] =	sst s10  }
0x38: {  	s10 =	sld [smem:$0x3FB4]  }
0x39: {  	_ = 	snop;
	(pc) =	sbr.ind lr, $3  }
0x3a: {  	_ = 	snop  }
0x3b: {  	_ = 	snop  }
0x3c: {  	p2 =	seq.s32 s10, $0x1;
	s10 =	sld [smem:$0x3FB3]  }
0x3d: {  	_ =	shalt  }
0x3e: {  	_ =	shalt  }
0x3f: {  	_ =	shalt  }
0x40: {  	_ =	shalt  }
0x41: {  	_ =	shalt  }
0x42: {  	_ =	shalt  }
0x43: {  	_ =	shalt  }
0x44: {  	_ =	shalt  }
0x45: {  	_ =	shalt  }
0x46: {  	_ =	shalt  }
0x47: {  	_ =	shalt  }
0x48: {  	_ =	shalt  }
0x49: {  	_ =	shalt  }
0x4a: {  	_ =	shalt  }
0x4b: {  	_ =	shalt  }
0x4c: {  	_ =	shalt  }
0x4d: {  	_ =	shalt  }
0x4e: {  	_ =	shalt  }
0x4f: {  	_ =	shalt  }
0x50: {  	_ =	shalt  }
0x51: {  	_ =	shalt  }
0x52: {  	_ =	shalt  }
0x53: {  	_ =	shalt  }
0x54: {  	_ =	shalt  }
0x55: {  	_ =	shalt  }
0x56: {  	_ =	shalt  }
0x57: {  	_ =	shalt  }
0x58: {  	_ =	shalt  }
0x59: {  	_ =	shalt  }
0x5a: {  	_ =	shalt  }
0x5b: {  	_ =	shalt  }
0x5c: {  	_ =	shalt  }
0x5d: {  	_ =	shalt  }
0x5e: {  	_ =	shalt  }
0x5f: {  	_ =	shalt  }
0x60: {  	_ =	shalt  }
0x61: {  	_ =	shalt  }
0x62: {  	_ =	shalt  }
0x63: {  	_ =	shalt  }
0x64: {  	_ =	shalt  }
0x65: {  	_ =	shalt  }
0x66: {  	_ =	shalt  }
0x67: {  	_ =	shalt  }
0x68: {  	_ =	shalt  }
0x69: {  	_ =	shalt  }
0x6a: {  	_ =	shalt  }
0x6b: {  	_ =	shalt  }
0x6c: {  	_ =	shalt  }
0x6d: {  	_ =	shalt  }
0x6e: {  	_ =	shalt  }
0x6f: {  	_ =	shalt  }
0x70: {  	_ =	shalt  }
0x71: {  	_ =	shalt  }
0x72: {  	_ =	shalt  }
0x73: {  	_ =	shalt  }
0x74: {  	_ =	shalt  }
0x75: {  	_ =	shalt  }
0x76: {  	_ =	shalt  }
0x77: {  	_ =	shalt  }
0x78: {  	_ =	shalt  }
0x79: {  	_ =	shalt  }
0x7a: {  	_ =	shalt  }
0x7b: {  	_ =	shalt  }
0x7c: {  	_ =	shalt  }
0x7d: {  	_ =	shalt  }
0x7e: {  	_ =	shalt  }
0x7f: {  	_ =	shalt  }
0x80: {  	_ =	shalt  }
0x81: {  	_ =	shalt  }
0x82: {  	_ =	shalt  }
0x83: {  	_ =	shalt  }
0x84: {  	_ =	shalt  }
0x85: {  	_ =	shalt  }
0x86: {  	_ =	shalt  }
0x87: {  	_ =	shalt  }
.Lfunc_end0:
.L_simem_size_0:
called_computation_lowered:
.L_overlay_start_0:
0x88: {  	s2 =	sld [smem:$0x3FD9]  }
0x89: {  	s3 =	sld [smem:$0x3FFE];
	_ =	sdelay $0x1  }
0x8a: {  	s1 =	srdreg.scid  }
0x8b: {  	s0 =	sand.u32 $0x1, s1  }
0x8c: {  	s16 =	sshll.u32 s0, $0xA;
	s2 =	sadd.s32 s3, s2  }
0x8d: {  	s2 =	sadd.s32 s2, s16  }
0x8e: {  	[smem:$0x3FBF] =	sst s2  }
0x8f: {  	_ = 	snop  }
0x90: {  	(tm) =	ssettm $0x1  }
0x91: {  	s17 =	sld [smem:$0x3FFB];
	_ =	sdelay $0x3  }
0x92: {  	_ =	strace s17  }
0x93: {  	s2 =	sld [smem:$0x3FFC];
	_ =	sdelay $0x3  }
0x94: {  	_ =	strace s2  }
0x95: {  	s2 =	sld [smem:$0x3FFD];
	_ =	sdelay $0x3  }
0x96: {  	_ =	strace s2  }
0x97: {  	_ =	strace $0x8FFFFFFF  }
0x98: {  	s18 =	sld [smem:$0x3FDB];
	_ =	sdelay $0x1  }
0x99: {  	s19 =	simm.s32 $_scs_section_size  }
0x9a: {  	s4 =	simm.s32 $_size__tile_overlayer_lowered;
	s5 =	simm.s32 $_tile_overlayer_lowered  }
0x9b: {  	s22 =	simm.s32 $0x1BFF;
	s21 =	sshll.u32 s5, $0x1;
	s2 =	sadd.s32 s19, s18  }
0x9c: {  	s6 =	simm.s32 $0x0;
	s20 =	sshll.u32 s4, $0x1;
	s4 =	sadd.s32 s21, s2  }
0x9d: {  	[timem:s6], [sflag:s22] =	dma.local [hbm:s4], s20  }
0x9e: {  	_ =	swait.ge [sflag:s22], s20  }
0x9f: {  	s3 =	ssub.s32 $0x0, s20;
	[sflag:s22] =	ssyncset.done $0x0  }
0xa0: {  	[sflag:s22] =	ssyncadd.s32 s3;
	_ =	sdelay $0x1  }
0xa1: {  	s23 =	simm.s32 $0x1B8B  }
0xa2: {  	_ =	swait.ge [sflag:s23], $0x1  }
0xa3: {  	[sflag:s23] =	ssyncset.done $0x0  }
0xa4: {  	s25 =	simm.s32 $0x1B8E;
	s24 =	sld [smem:$0x3FFE];
	[sflag:s23] =	ssyncadd.s32 $0xFFFFFFFF  }
0xa5: {  	s26 =	simm.s32 $execute0_lowered;
	[smem:$0x3FD2] =	sst s25  }
0xa6: {  	s4 =	sshll.u32 s26, $0x1;
	_ =	strace $0x80000046;
	[dreg:$0x1] =	wrdreg $0xFFFFFFFF  }
0xa7: {  	s28 =	simm.s32 $_size_execute0_lowered;
	s2 =	sadd.s32 s2, s4;
	[dreg:$0x0] =	wrdreg $0x0  }
0xa8: {  	s4 =	sshll.u32 s28, $0x1;
	[dreg:$0x2] =	wrdreg s2  }
0xa9: {  	[dreg:$0x3] =	wrdreg s4  }
0xaa: {  	[dreg:$0x4] =	wrdreg $0xC0  }
0xab: {  	_ =	task [dreg:s6], $0x5FFFF  }
0xac: {  	[dreg:$0x1] =	wrdreg $0xFFFFFFFF  }
0xad: {  	[dreg:$0x0] =	wrdreg $0x60  }
0xae: {  	[dreg:$0x2] =	wrdreg s24  }
0xaf: {  	[dreg:$0x3] =	wrdreg $0x0  }
0xb0: {  	[dreg:$0x4] =	wrdreg $0x9  }
0xb1: {  	_ =	task.clear_ibuf [dreg:s6], $0x5FFFF;
	_ =	strace $0x90000046  }
0xb2: {  	s29 =	simm.s32 $0x9;
	_ =	strace $0x80000048  }
0xb3: {  	_ =	swait.ge [sflag:s29], $0x1  }
0xb4: {  	[sflag:s29] =	ssyncadd.s32 $0xFFFFFFFF  }
0xb5: {  	_ =	strace $0x90000048  }
0xb6: {  	_ =	sfence  }
0xb7: {  	s30 =	sld [smem:$0x0];
	_ =	sdelay $0x2  }
0xb8: {  	s31 =	sshll.u32 s1, $0xD;
	s1 =	sshrl.u32 s1, $0x2  }
0xb9: {  	s3 =	sand.u32 $0x4000, s31;
	s1 =	sadd.s32 s1, s30  }
0xba: {  	s0 =	sor.u32 s3, s0;
	s1 =	sshll.u32 s1, $0x11  }
0xbb: {  	s0 =	sor.u32 s1, s0  }
0xbc: {  	s0 =	sadd.s32 $0x8F2B, s0  }
0xbd: {  	[sflag:s0] =	ssyncadd.remote.s32 $0x1  }
0xbe: {  	_ =	sfence.sel $0xFFFF  }
0xbf: {  	[dreg:$0x0] =	wrdreg $0xFFFFFFFF;
	(pc) =	sbr.abs _section_cstart, $3  }
0xc0: {  	[dreg:$0x1] =	wrdreg $0xFFFFFFFF  }
0xc1: {  	_ =	task.clear_ibuf [dreg:s6], $0x2FFFF;
	_ =	strace $0x9FFFFFFF  }
0xc2: {  	(tm) =	ssettm $0x7FFFFFFF  }
0xc3: {  	_ =	shalt  }
tec
execute0_lowered:
.L_overlay_start_1:
0x0: {  	(tag) =	ssettag $0x1  }
0x1: {  	s7 =	rddreg [dreg:$0x0]  }
0x2: {  	s0 =	srdreg.scid;
	s2 =	rddreg [dreg:$0x1];
	s3 =	simm.s32 $0x0  }
0x3: {  	s13 =	simm.s32 $0x18000;
	s14 =	simm.s32 $0x80;
	s6 =	sand.u32 $0x1, s0  }
0x4: {  	s15 =	simm.s32 $0x0;
	s0 =	stileid.u32;
	s5 =	smul.u32 $0x140000, s6  }
0x5: {  	[smem:$0x7FF] =	sst s3;
	s1 =	sshll.u32 s6, $0x4;
	s8 =	smul.u32 $0x14000, s0  }
0x6: {  	s10 =	smul.u32 $0x50000, s0;
	s6 =	ssub.s32 $0x2, s6;
	s1 =	sor.u32 s0, s1  }
0x7: {  	s11 =	sshll.u32 s0, $0x6;
	s31 =	sshrl.u32 s6, $0x1;
	s4 =	smul.u32 $0x280, s1  }
0x8: {  	s1 =	rddreg [dreg:$0x2];
	_ =	strace $0x80000047;
	s5 =	sadd.s32 s8, s5  }
0x9: {  	s10 =	sshrl.u32 s10, $0x2;
	s12 =	ssub.s32 s6, s31;
	s6 =	sor.u32 $0x1C01, s11  }
0xa: {  	s11 =	simm.s32 $0x1;
	s8 =	sshrl.u32 s5, $0x3;
	s5 =	sadd.s32 $0x6E00, s7  }
0xb: {  	s10 =	sadd.s32 s10, s2;
	s9 =	sadd.s32 s4, s7;
	s4 =	sadd.s32 $0x9600, s7  }
0xc: {  	s8 =	sadd.s32 s8, s7;
	s10 =	sshrl.u32 s10, $0x3;
	s7 =	sadd.s32 $0x1E00, s9  }
0xd: {  	s8 =	sadd.s32 $0x9E00, s8;
	s9 =	smax.u32 s12, $0x1;
	s12 =	simm.s32 $0x14000  }
.LBB2_1:
0xe: {  	[spmem:s10], [sflag:s6] =	dma.local [hbm:s5], $0x2800  }
0xf: {  	_ =	swait.ge [sflag:s11], $0x2800  }
0x10: {  	[sflag:s11] =	ssyncset.done $0x0  }
0x11: {  	[sflag:s11] =	ssyncadd.s32 $0xFFFFD800  }
0x12: {  	[tilespmem:s12], [sflag:$0x1] =	stream.linear.gather [hbm4b:s4+s3], $0x4000, $0x38;
	[tilespmem:$0x19400] =	vst v63  }
0x13: {  	_ =	swait.ge [sflag:s11], $0x4000  }
0x14: {  	[sflag:s11] =	ssyncset.done $0x0  }
0x15: {  	[sflag:s11] =	ssyncadd.s32 $0xFFFFC000  }
0x16: {  	[tilespmem:s13], [sflag:$0x1] =	stream.linear.gather [hbm4b:s7+s3], $0x1400, $0x38;
	[tilespmem:$0x19400] =	vst v63  }
0x17: {  	_ =	swait.ge [sflag:s11], $0x1400  }
0x18: {  	[sflag:s11] =	ssyncset.done $0x0  }
0x19: {  	[sflag:s11] =	ssyncadd.s32 $0xFFFFEC00  }
0x1a: {  	s16 =	simm.s32 $0x18000;
	[bflag:$0x0] =	sbarrier.arrive $0xFFFF  }
0x1b: {  	[spmem:s2] =	stream.indirect.scatter.add.f32 [tilespmem:s12], [sflag:$0x1], $0x80, s16, s14, $0xb8;
	[tilespmem:$0x19400] =	vst v63  }
0x1c: {  	s16 =	simm.s32 $0x200;
	_ =	swait.ge [sflag:s11], $0x4000  }
.LBB2_2:
0x1d: {  	s17 =	sshra.s32 s16, $0x2;
	[sflag:s11] =	ssyncset.done $0x0;
	p0 =	sne.s32 s16, $0x4E00  }
.Ltmp0:
0x1e: {  	s17 =	sadd.s32 $0x18000, s17;
	[sflag:s11] =	ssyncadd.s32 $0xFFFFC000;
	(pc) =	sbr.rel @p0 .LBB2_2-.Ltmp0, $3  }
0x1f: {  	[spmem:s2] =	stream.indirect.scatter.add.f32 [tilespmem:s12], [sflag:$0x1], $0x80, s17, s14, $0xb8;
	[tilespmem:$0x19400] =	vst v63  }
0x20: {  	s16 =	sadd.s32 $0x200, s16;
	_ =	sdelay $0x1  }
0x21: {  	_ =	swait.ge [sflag:s11], $0x4000  }
0x22: {  	[sflag:s11] =	ssyncset.done $0x0;
	s15 =	sadd.s32 $0x1, s15  }
0x23: {  	[sflag:s11] =	ssyncadd.s32 $0xFFFFC000;
	p0 =	sne.s32 s15, s9  }
.Ltmp1:
0x24: {  	[bflag:$0x0] =	sbarrier.arrive $0xFFFF;
	(pc) =	sbr.rel @p0 .LBB2_1-.Ltmp1, $4  }
0x25: {  	[hbm:s8], [sflag:s6] =	dma.local [spmem:s10], $0x2800  }
0x26: {  	_ =	swait.ge [sflag:s11], $0x2800  }
0x27: {  	[sflag:s11] =	ssyncset.done $0x0  }
0x28: {  	[sflag:s11] =	ssyncadd.s32 $0xFFFFD800  }
0x29: {  	_ =	sfence.sel $0x180000  }
0x2a: {  	[bflag:$0x0] =	sbarrier.arrive $0xFFFF  }
0x2b: {  	p0 =	sne.s32 s0, $0x0;
	_ =	strace $0x90000047  }
0x2c: {  	s0 =	sadd.s32 @!p0 $0x100000, s1;
	[bflag:$0x2] =	sbarrier.arrive $0xFFFF  }
0x2d: {  	[sflag:s0] =	ssyncadd.tile.s32 @!p0 $0x1;
	_ =	shalt  }
.Lfunc_end2:
_tile_overlayer_lowered:
.L_overlay_start_2:
0x2e: {  	(tag) =	ssettag $0x2  }
0x2f: {  	s0 =	rddreg [dreg:$0x0];
	s2 =	stileid.u32  }
0x30: {  	s1 =	rddreg [dreg:$0x1];
	p0 =	sne.s32 s2, $0x0  }
0x31: {  	s3 =	rddreg [dreg:$0x2];
	[bflag:$0x3] =	sbarrier.arrive $0xFFFF;
	s2 =	simm.s32 @!p0 $0x1C01  }
0x32: {  	[timem:s3], [sflag:s2] =	dma.local @!p0 [hbm:s0], s1  }
0x33: {  	s0 =	simm.s32 @!p0 $0x1  }
0x34: {  	_ =	swait.ge @!p0 [sflag:s0], s1  }
0x35: {  	s1 =	ssub.s32 @!p0 $0x0, s1;
	[sflag:s0] =	ssyncset.done @!p0 $0x0  }
0x36: {  	[sflag:s0] =	ssyncadd.s32 @!p0 s1  }
0x37: {  	[bflag:$0x3] =	sbarrier.arrive $0xFFFF  }
0x38: {  	_ =	shalt  }

</sc_bundles>
